<compile_context>
chip_gen: v7x
topology: tpu7x:2x2x1
jax: 0.10.2.dev20260603
libtpu: 0.0.44.dev20260713+nightly
codegen_flags: <defaults>
</compile_context>

<pallas_src>
import jax
import jax.numpy as jnp
from jax import lax
from jax.experimental import pallas as pl
from jax.experimental.pallas import tpu as pltpu
from jax.experimental.pallas import tpu_sc as plsc

_B, _L, _D = 64, 256, 1024
_HALF = 128
_MARGINS = (0.2, 0.4)
_NSUB = 16
_LANES = 16
_ROWS_PER_TILE = _B // _NSUB
_NCHUNK = _HALF // _LANES


def _sim_body(t_ref, l_ref, tgt_ref, out_ref):
    t = t_ref[...]
    lbl = l_ref[...]
    tn = t / jnp.maximum(jnp.sqrt(jnp.sum(t * t, axis=-1, keepdims=True)), 1e-12)
    ln = lbl / jnp.maximum(jnp.sqrt(jnp.sum(lbl * lbl, axis=-1, keepdims=True)), 1e-12)
    out_ref[pl.ds(0, _B), :] = jax.lax.dot_general(
        tn, ln, (((1,), (1,)), ((), ())),
        preferred_element_type=jnp.float32,
        precision=jax.lax.Precision.DEFAULT,
    )
    out_ref[pl.ds(_B, _B), :] = jnp.where(tgt_ref[...] != 0, 1.0, 0.0)


def _sc_mine_body(packed_hbm, out_hbm, sim_v, vm_v, vec_v, loss_v, red_v,
                  shared, sem1, sem2):
    sid = lax.axis_index("s")

    iota = lax.iota(jnp.int32, _LANES)
    zeros = jnp.zeros((_LANES,), jnp.float32)

    cp1 = pltpu.async_copy(
        packed_hbm.at[pl.ds(sid * _ROWS_PER_TILE, _ROWS_PER_TILE)],
        sim_v, sem1)
    cp2 = pltpu.async_copy(
        packed_hbm.at[pl.ds(_B + sid * _ROWS_PER_TILE, _ROWS_PER_TILE)],
        vm_v, sem2)
    cp1.wait()
    cp2.wait()

    def per_row(r, accs):
        new = []
        for lvl in range(2):
            acc_s, acc_c = accs[2 * lvl], accs[2 * lvl + 1]
            base = lvl * _HALF
            margin = _MARGINS[lvl]

            c0 = sim_v[r, pl.ds(base, _LANES)]

            def max_step(k, mv):
                return jnp.maximum(
                    mv, sim_v[r, pl.ds(base + k * _LANES, _LANES)])
            mv = lax.fori_loop(1, _NCHUNK, max_step, c0)
            m = jnp.max(mv)

            s0 = jnp.sum(jnp.where(iota == 0, c0, 0.0))
            s1 = jnp.sum(jnp.where(iota == 1, c0, 0.0))
            mm = m + margin

            fb0 = jnp.where(iota == 0, s1, s0) + margin
            negv = jnp.where(c0 < m, mm, fb0)
            vm0 = vm_v[r, pl.ds(base, _LANES)]
            acc_s = acc_s + jnp.maximum(negv - c0, 0.0) * vm0
            acc_c = acc_c + vm0

            fbs = s0 + margin

            def hinge_step(k, sc):
                a_s, a_c = sc
                off = base + k * _LANES
                ck = sim_v[r, pl.ds(off, _LANES)]
                negvk = jnp.where(ck < m, mm, fbs)
                vmk = vm_v[r, pl.ds(off, _LANES)]
                return (a_s + jnp.maximum(negvk - ck, 0.0) * vmk,
                        a_c + vmk)
            acc_s, acc_c = lax.fori_loop(
                1, _NCHUNK, hinge_step, (acc_s, acc_c))
            new.extend([acc_s, acc_c])
        return tuple(new)

    accs = lax.fori_loop(0, _ROWS_PER_TILE, per_row,
                         (zeros, zeros, zeros, zeros))

    part = (jnp.where(iota == 0, jnp.sum(accs[0]), 0.0)
            + jnp.where(iota == 1, jnp.sum(accs[1]), 0.0)
            + jnp.where(iota == 2, jnp.sum(accs[2]), 0.0)
            + jnp.where(iota == 3, jnp.sum(accs[3]), 0.0))
    vec_v[...] = part
    pltpu.sync_copy(vec_v, shared.at[32 + sid])
    plsc.subcore_barrier()

    @pl.when(sid == 0)
    def _():
        pltpu.sync_copy(shared.at[pl.ds(32, _NSUB)], red_v)

        def red_step(i, acc):
            return acc + red_v[i, :]
        acc = lax.fori_loop(1, _NSUB, red_step, red_v[0, :])
        big_s1 = jnp.sum(jnp.where(iota == 0, acc, 0.0))
        big_c1 = jnp.sum(jnp.where(iota == 1, acc, 0.0))
        big_s2 = jnp.sum(jnp.where(iota == 2, acc, 0.0))
        big_c2 = jnp.sum(jnp.where(iota == 3, acc, 0.0))
        nv = (jnp.where(iota == 0, big_s1, 0.0)
              + jnp.where(iota == 1, big_s2, 0.0))
        c2v = jnp.where(iota >= 0, big_c2, 0.0)
        dv = jnp.where(iota == 0, big_c1, jnp.maximum(c2v, 1.0))
        q = nv / dv
        gate = jnp.where(
            (iota == 0) | ((iota == 1) & (c2v >= 3.0)), 1.0, 0.0)
        loss = jnp.sum(q * gate)
        loss_v[0, :] = jnp.where(iota == 0, loss, 0.0)
        pltpu.sync_copy(loss_v, out_hbm)


def kernel(text_embed, label_embed, target):
    tgt = target.astype(jnp.int32)
    packed = pl.pallas_call(
        _sim_body,
        out_shape=jax.ShapeDtypeStruct((2 * _B, _L), jnp.float32),
    )(text_embed, label_embed, tgt)

    mine = pl.kernel(
        _sc_mine_body,
        out_type=jax.ShapeDtypeStruct((1, _LANES), jnp.float32),
        mesh=plsc.VectorSubcoreMesh(
            core_axis_name="c", subcore_axis_name="s",
            num_cores=1, num_subcores=_NSUB),
        scratch_types=[
            pltpu.VMEM((_ROWS_PER_TILE, _L), jnp.float32),
            pltpu.VMEM((_ROWS_PER_TILE, _L), jnp.float32),
            pltpu.VMEM((_LANES,), jnp.float32),
            pltpu.VMEM((1, _LANES), jnp.float32),
            pltpu.VMEM((_NSUB, _LANES), jnp.float32),
            pltpu.VMEM_SHARED((48, _LANES), jnp.float32),
            pltpu.SemaphoreType.DMA,
            pltpu.SemaphoreType.DMA,
        ],
        compiler_params=pltpu.CompilerParams(needs_layout_passes=False),
    )
    out = mine(packed)
    return out[0, 0]

# --- scband reference (transcript-rebuilt; emitter-appended) ---
"""Pipeline reference for scband-tripletlosshard1-54125177864860 (READ-ONLY COPY).

The authoritative reference and input builder live on the scoring server;
editing this copy changes nothing except your own understanding.
"""

import jax, jax.numpy as jnp
import numpy as np

B, L, D = 64, 256, 1024
LVL1 = np.arange(0, 128)
LVL2 = np.arange(128, 256)
MARGINS = (0.2, 0.4)


def _normalize(x):
    n = jnp.linalg.norm(x, axis=-1, keepdims=True)
    return x / jnp.clip(n, 1e-12)


def _mine(sim, target, lvl_idx):
    # Hard-negative mining, faithful to the torch loop but vectorized per batch row.
    # neg = argmax over level sims strictly greater than pos_sim (== overall argmax when any exist);
    # deterministic fallback (replaces random.choice): first level-local index != pos.
    lvl = jnp.asarray(lvl_idx)
    sub = sim[:, lvl]
    mask = sub[:, None, :] > sub[:, :, None]
    masked = jnp.where(mask, sub[:, None, :], -jnp.inf)
    neg_local = jnp.argmax(masked, axis=2)
    has_cand = mask.any(axis=2)
    j = jnp.arange(lvl.shape[0])
    fallback = jnp.where(j == 0, 1, 0)
    neg_local = jnp.where(has_cand, neg_local, fallback[None, :])
    valid = target[:, lvl] != 0
    return valid, lvl[neg_local]


def _triplet_loss_masked(tn, ln, valid, neg_global, lvl_idx, margin):
    # TripletMarginWithDistanceLoss with d(x,y) = 1 - cos(x,y); inputs already L2-normalized
    p = ln[jnp.asarray(lvl_idx)]
    d_ap = 1.0 - jnp.sum(tn[:, None, :] * p[None, :, :], axis=-1)
    n = ln[neg_global]
    d_an = 1.0 - jnp.sum(tn[:, None, :] * n, axis=-1)
    per = jnp.maximum(d_ap - d_an + margin, 0.0)
    s = jnp.sum(jnp.where(valid, per, 0.0))
    cnt = jnp.sum(valid)
    return s, cnt


def setup_inputs(seed: int = 0):
    key = jax.random.key(seed)
    k1, k2, k3 = jax.random.split(key, 3)
    text_embed = jax.random.normal(k1, (B, D), dtype=jnp.float32)
    label_embed = jax.random.normal(k2, (L, D), dtype=jnp.float32)
    target = jax.random.randint(k3, (B, L), 0, 2).astype(jnp.int64)
    return {"text_embed": text_embed, "label_embed": label_embed, "target": target}


def reference(text_embed, label_embed, target):
    tn = _normalize(text_embed)
    ln = _normalize(label_embed)
    sim = tn @ ln.T  # cosine similarity of normalized embeds

    v1, n1 = _mine(sim, target, LVL1)
    s1, c1 = _triplet_loss_masked(tn, ln, v1, n1, LVL1, MARGINS[0])
    loss = s1 / c1.astype(jnp.float32)

    v2, n2 = _mine(sim, target, LVL2)
    s2, c2 = _triplet_loss_masked(tn, ln, v2, n2, LVL2, MARGINS[1])
    loss2 = s2 / jnp.maximum(c2, 1).astype(jnp.float32)
    loss = loss + jnp.where(c2 >= 3, loss2, jnp.zeros_like(loss2))
    return loss

if __name__ == "__main__":
    import jax
    _d = setup_inputs()
    print(jax.jit(kernel)(*tuple(_d.values())))

</pallas_src>

<mosaic_0001>
#map = affine_map<(d0, d1) -> (0, 0)>
module attributes {stable_mosaic.version = 14 : i64} {
  func.func @_sc_mine_body(%arg0: i32, %arg1: i32, %arg2: memref<128x256xf32, #tpu.memory_space<hbm>>, %arg3: memref<1x16xf32, #tpu.memory_space<hbm>>, %arg4: memref<4x256xf32, #tpu.memory_space<vmem>>, %arg5: memref<4x256xf32, #tpu.memory_space<vmem>>, %arg6: memref<16xf32, #tpu.memory_space<vmem>>, %arg7: memref<1x16xf32, #tpu.memory_space<vmem>>, %arg8: memref<16x16xf32, #tpu.memory_space<vmem>>, %arg9: memref<48x16xf32, #tpu.memory_space<vmem_shared>>, %arg10: memref<!tpu.dma_semaphore, #tpu.memory_space<semaphore_mem>>, %arg11: memref<!tpu.dma_semaphore, #tpu.memory_space<semaphore_mem>>) attributes {dimension_semantics = [#tpu.dimension_semantics<core_parallel>, #tpu.dimension_semantics<subcore_parallel>], iteration_bounds = array<i64: 1, 16>, scalar_prefetch = 0 : i64, scratch_operands = 8 : i64, tpu.core_type = #tpu.core_type<sc_vector_subcore>, window_params = [{transform_indices = #map}, {transform_indices = #map}]} {
    %iota3A = tpu.iota {dimensions = array<i32: 0>} : vector<16xi32>
    %broadcast_in_dim3A = arith.constant 0.000000e+00 : f32
    %broadcast_in_dim3A_0 = vector.broadcast %broadcast_in_dim3A : f32 to vector<16xf32>
    %mul3A = arith.constant 4 : i32
    %mul3A_1 = arith.muli %arg1, %mul3A : i32
    %dma_start3A = arith.constant 0 : i32
    %dma_start3A_2 = tpu.memref_slice %arg2[%mul3A_1, %dma_start3A] : memref<128x256xf32, #tpu.memory_space<hbm>> -> memref<4x256xf32, #tpu.memory_space<hbm>>
    %dma_start3A_3 = arith.constant 0 : i32
    %dma_start3A_4 = tpu.memref_slice %arg2[%mul3A_1, %dma_start3A_3] : memref<128x256xf32, #tpu.memory_space<hbm>> -> memref<4x256xf32, #tpu.memory_space<hbm>>
    tpu.enqueue_dma source(%dma_start3A_4 : memref<4x256xf32, #tpu.memory_space<hbm>>) target(%arg4 : memref<4x256xf32, #tpu.memory_space<vmem>>) target_semaphore(%arg10 : memref<!tpu.dma_semaphore, #tpu.memory_space<semaphore_mem>>)
    %mul3A_5 = arith.constant 4 : i32
    %mul3A_6 = arith.muli %arg1, %mul3A_5 : i32
    %add3A = arith.constant 64 : i32
    %add3A_7 = arith.addi %add3A, %mul3A_6 : i32
    %dma_start3A_8 = arith.constant 0 : i32
    %dma_start3A_9 = tpu.memref_slice %arg2[%add3A_7, %dma_start3A_8] : memref<128x256xf32, #tpu.memory_space<hbm>> -> memref<4x256xf32, #tpu.memory_space<hbm>>
    %dma_start3A_10 = arith.constant 0 : i32
    %dma_start3A_11 = tpu.memref_slice %arg2[%add3A_7, %dma_start3A_10] : memref<128x256xf32, #tpu.memory_space<hbm>> -> memref<4x256xf32, #tpu.memory_space<hbm>>
    tpu.enqueue_dma source(%dma_start3A_11 : memref<4x256xf32, #tpu.memory_space<hbm>>) target(%arg5 : memref<4x256xf32, #tpu.memory_space<vmem>>) target_semaphore(%arg11 : memref<!tpu.dma_semaphore, #tpu.memory_space<semaphore_mem>>)
    %dma_wait3A = arith.constant 0 : i32
    %dma_wait3A_12 = tpu.memref_slice %arg2[%mul3A_1, %dma_wait3A] : memref<128x256xf32, #tpu.memory_space<hbm>> -> memref<4x256xf32, #tpu.memory_space<hbm>>
    %dma_wait3A_13 = arith.constant 0 : i32
    %dma_wait3A_14 = tpu.memref_slice %arg2[%mul3A_1, %dma_wait3A_13] : memref<128x256xf32, #tpu.memory_space<hbm>> -> memref<4x256xf32, #tpu.memory_space<hbm>>
    tpu.wait_dma2 semaphore(%arg10 : memref<!tpu.dma_semaphore, #tpu.memory_space<semaphore_mem>>) src(%dma_wait3A_14 : memref<4x256xf32, #tpu.memory_space<hbm>>) dst(%arg4 : memref<4x256xf32, #tpu.memory_space<vmem>>)
    %dma_wait3A_15 = arith.constant 0 : i32
    %dma_wait3A_16 = tpu.memref_slice %arg2[%add3A_7, %dma_wait3A_15] : memref<128x256xf32, #tpu.memory_space<hbm>> -> memref<4x256xf32, #tpu.memory_space<hbm>>
    %dma_wait3A_17 = arith.constant 0 : i32
    %dma_wait3A_18 = tpu.memref_slice %arg2[%add3A_7, %dma_wait3A_17] : memref<128x256xf32, #tpu.memory_space<hbm>> -> memref<4x256xf32, #tpu.memory_space<hbm>>
    tpu.wait_dma2 semaphore(%arg11 : memref<!tpu.dma_semaphore, #tpu.memory_space<semaphore_mem>>) src(%dma_wait3A_18 : memref<4x256xf32, #tpu.memory_space<hbm>>) dst(%arg5 : memref<4x256xf32, #tpu.memory_space<vmem>>)
    %scan3A = arith.constant 0 : i32
    %scan3A_19 = arith.constant 4 : i32
    %scan3A_20 = arith.addi %scan3A, %scan3A_19 : i32
    %scan3A_21 = arith.constant 1 : i32
    %scan3A_22:4 = scf.for %scan3A_73 = %scan3A to %scan3A_20 step %scan3A_21 iter_args(%scan3A_74 = %broadcast_in_dim3A_0, %scan3A_75 = %broadcast_in_dim3A_0, %scan3A_76 = %broadcast_in_dim3A_0, %scan3A_77 = %broadcast_in_dim3A_0) -> (vector<16xf32>, vector<16xf32>, vector<16xf32>, vector<16xf32>)  : i32 {
      %get3A = arith.index_cast %scan3A_73 : i32 to index
      %get3A_78 = arith.constant 0 : index
      %get3A_79 = tpu.vector_load %arg4[%get3A, %get3A_78] {strides = array<i32>} : memref<4x256xf32, #tpu.memory_space<vmem>>, vector<16xf32>,
      %scan3A_80 = arith.constant 1 : i32
      %scan3A_81 = arith.constant 7 : i32
      %scan3A_82 = arith.addi %scan3A_80, %scan3A_81 : i32
      %scan3A_83 = arith.constant 1 : i32
      %scan3A_84 = scf.for %scan3A_205 = %scan3A_80 to %scan3A_82 step %scan3A_83 iter_args(%scan3A_206 = %get3A_79) -> (vector<16xf32>)  : i32 {
        %mul3A_207 = arith.constant 16 : i32
        %mul3A_208 = arith.muli %scan3A_205, %mul3A_207 : i32
        %add3A_209 = arith.constant 0 : i32
        %add3A_210 = arith.addi %add3A_209, %mul3A_208 : i32
        %get3A_211 = arith.index_cast %scan3A_73 : i32 to index
        %get3A_212 = arith.index_cast %add3A_210 : i32 to index
        %get3A_213 = tpu.vector_load %arg4[%get3A_211, %get3A_212] {strides = array<i32>} : memref<4x256xf32, #tpu.memory_space<vmem>>, vector<16xf32>,
        %max3A_214 = arith.maximumf %scan3A_206, %get3A_213 : vector<16xf32>
        scf.yield %max3A_214 : vector<16xf32>
      }
      %scan3A_85 = arith.constant 7 : i32
      %reduce_max3A = arith.constant true
      %reduce_max3A_86 = vector.broadcast %reduce_max3A : i1 to vector<16xi1>
      %reduce_max3A_87 = tpu.scan <max>, %scan3A_84 masked %reduce_max3A_86 : vector<16xf32>, vector<16xi1> -> vector<16xf32>
      %reduce_max3A_88 = vector.extract %reduce_max3A_87[15] : f32 from vector<16xf32>
      %eq3A_89 = arith.constant 0 : i32
      %eq3A_90 = vector.broadcast %eq3A_89 : i32 to vector<16xi32>
      %eq3A_91 = arith.cmpi eq, %iota3A, %eq3A_90 : vector<16xi32>
      %jit3A_92 = arith.constant 0.000000e+00 : f32
      %broadcast_in_dim3A_93 = vector.broadcast %jit3A_92 : f32 to vector<16xf32>
      %select_n3A_94 = arith.select %eq3A_91, %get3A_79, %broadcast_in_dim3A_93 : vector<16xi1>, vector<16xf32>
      %reduce_sum3A_95 = arith.constant true
      %reduce_sum3A_96 = vector.broadcast %reduce_sum3A_95 : i1 to vector<16xi1>
      %reduce_sum3A_97 = tpu.scan <sum>, %select_n3A_94 masked %reduce_sum3A_96 : vector<16xf32>, vector<16xi1> -> vector<16xf32>
      %reduce_sum3A_98 = vector.extract %reduce_sum3A_97[15] : f32 from vector<16xf32>
      %eq3A_99 = arith.constant 1 : i32
      %eq3A_100 = vector.broadcast %eq3A_99 : i32 to vector<16xi32>
      %eq3A_101 = arith.cmpi eq, %iota3A, %eq3A_100 : vector<16xi32>
      %jit3A_102 = arith.constant 0.000000e+00 : f32
      %broadcast_in_dim3A_103 = vector.broadcast %jit3A_102 : f32 to vector<16xf32>
      %select_n3A_104 = arith.select %eq3A_101, %get3A_79, %broadcast_in_dim3A_103 : vector<16xi1>, vector<16xf32>
      %reduce_sum3A_105 = arith.constant true
      %reduce_sum3A_106 = vector.broadcast %reduce_sum3A_105 : i1 to vector<16xi1>
      %reduce_sum3A_107 = tpu.scan <sum>, %select_n3A_104 masked %reduce_sum3A_106 : vector<16xf32>, vector<16xi1> -> vector<16xf32>
      %reduce_sum3A_108 = vector.extract %reduce_sum3A_107[15] : f32 from vector<16xf32>
      %add3A_109 = arith.constant 2.000000e-01 : f32
      %add3A_110 = arith.addf %reduce_max3A_88, %add3A_109 : f32
      %eq3A_111 = arith.constant 0 : i32
      %eq3A_112 = vector.broadcast %eq3A_111 : i32 to vector<16xi32>
      %eq3A_113 = arith.cmpi eq, %iota3A, %eq3A_112 : vector<16xi32>
      %broadcast_in_dim3A_114 = vector.broadcast %reduce_sum3A_108 : f32 to vector<16xf32>
      %broadcast_in_dim3A_115 = vector.broadcast %reduce_sum3A_98 : f32 to vector<16xf32>
      %select_n3A_116 = arith.select %eq3A_113, %broadcast_in_dim3A_114, %broadcast_in_dim3A_115 : vector<16xi1>, vector<16xf32>
      %add3A_117 = arith.constant 2.000000e-01 : f32
      %add3A_118 = vector.broadcast %add3A_117 : f32 to vector<16xf32>
      %add3A_119 = arith.addf %select_n3A_116, %add3A_118 : vector<16xf32>
      %lt3A = vector.broadcast %reduce_max3A_88 : f32 to vector<16xf32>
      %lt3A_120 = arith.cmpf olt, %get3A_79, %lt3A : vector<16xf32>
      %broadcast_in_dim3A_121 = vector.broadcast %add3A_110 : f32 to vector<16xf32>
      %select_n3A_122 = arith.select %lt3A_120, %broadcast_in_dim3A_121, %add3A_119 : vector<16xi1>, vector<16xf32>
      %get3A_123 = arith.index_cast %scan3A_73 : i32 to index
      %get3A_124 = arith.constant 0 : index
      %get3A_125 = tpu.vector_load %arg5[%get3A_123, %get3A_124] {strides = array<i32>} : memref<4x256xf32, #tpu.memory_space<vmem>>, vector<16xf32>,
      %sub3A = arith.subf %select_n3A_122, %get3A_79 : vector<16xf32>
      %max3A = arith.constant 0.000000e+00 : f32
      %max3A_126 = vector.broadcast %max3A : f32 to vector<16xf32>
      %max3A_127 = arith.maximumf %sub3A, %max3A_126 : vector<16xf32>
      %mul3A_128 = arith.mulf %max3A_127, %get3A_125 : vector<16xf32>
      %add3A_129 = arith.addf %scan3A_74, %mul3A_128 : vector<16xf32>
      %add3A_130 = arith.addf %scan3A_75, %get3A_125 : vector<16xf32>
      %add3A_131 = arith.constant 2.000000e-01 : f32
      %add3A_132 = arith.addf %reduce_sum3A_98, %add3A_131 : f32
      %scan3A_133 = arith.constant 1 : i32
      %scan3A_134 = arith.constant 7 : i32
      %scan3A_135 = arith.addi %scan3A_133, %scan3A_134 : i32
      %scan3A_136 = arith.constant 1 : i32
      %scan3A_137:2 = scf.for %scan3A_205 = %scan3A_133 to %scan3A_135 step %scan3A_136 iter_args(%scan3A_206 = %add3A_129, %scan3A_207 = %add3A_130) -> (vector<16xf32>, vector<16xf32>)  : i32 {
        %mul3A_208 = arith.constant 16 : i32
        %mul3A_209 = arith.muli %scan3A_205, %mul3A_208 : i32
        %add3A_210 = arith.constant 0 : i32
        %add3A_211 = arith.addi %add3A_210, %mul3A_209 : i32
        %get3A_212 = arith.index_cast %scan3A_73 : i32 to index
        %get3A_213 = arith.index_cast %add3A_211 : i32 to index
        %get3A_214 = tpu.vector_load %arg4[%get3A_212, %get3A_213] {strides = array<i32>} : memref<4x256xf32, #tpu.memory_space<vmem>>, vector<16xf32>,
        %lt3A_215 = vector.broadcast %reduce_max3A_88 : f32 to vector<16xf32>
        %lt3A_216 = arith.cmpf olt, %get3A_214, %lt3A_215 : vector<16xf32>
        %broadcast_in_dim3A_217 = vector.broadcast %add3A_110 : f32 to vector<16xf32>
        %broadcast_in_dim3A_218 = vector.broadcast %add3A_132 : f32 to vector<16xf32>
        %select_n3A_219 = arith.select %lt3A_216, %broadcast_in_dim3A_217, %broadcast_in_dim3A_218 : vector<16xi1>, vector<16xf32>
        %get3A_220 = arith.index_cast %scan3A_73 : i32 to index
        %get3A_221 = arith.index_cast %add3A_211 : i32 to index
        %get3A_222 = tpu.vector_load %arg5[%get3A_220, %get3A_221] {strides = array<i32>} : memref<4x256xf32, #tpu.memory_space<vmem>>, vector<16xf32>,
        %sub3A_223 = arith.subf %select_n3A_219, %get3A_214 : vector<16xf32>
        %max3A_224 = arith.constant 0.000000e+00 : f32
        %max3A_225 = vector.broadcast %max3A_224 : f32 to vector<16xf32>
        %max3A_226 = arith.maximumf %sub3A_223, %max3A_225 : vector<16xf32>
        %mul3A_227 = arith.mulf %max3A_226, %get3A_222 : vector<16xf32>
        %add3A_228 = arith.addf %scan3A_206, %mul3A_227 : vector<16xf32>
        %add3A_229 = arith.addf %scan3A_207, %get3A_222 : vector<16xf32>
        scf.yield %add3A_228, %add3A_229 : vector<16xf32>, vector<16xf32>
      }
      %scan3A_138 = arith.constant 7 : i32
      %get3A_139 = arith.index_cast %scan3A_73 : i32 to index
      %get3A_140 = arith.constant 128 : index
      %get3A_141 = tpu.vector_load %arg4[%get3A_139, %get3A_140] {strides = array<i32>} : memref<4x256xf32, #tpu.memory_space<vmem>>, vector<16xf32>,
      %scan3A_142 = arith.constant 1 : i32
      %scan3A_143 = arith.constant 7 : i32
      %scan3A_144 = arith.addi %scan3A_142, %scan3A_143 : i32
      %scan3A_145 = arith.constant 1 : i32
      %scan3A_146 = scf.for %scan3A_205 = %scan3A_142 to %scan3A_144 step %scan3A_145 iter_args(%scan3A_206 = %get3A_141) -> (vector<16xf32>)  : i32 {
        %mul3A_207 = arith.constant 16 : i32
        %mul3A_208 = arith.muli %scan3A_205, %mul3A_207 : i32
        %add3A_209 = arith.constant 128 : i32
        %add3A_210 = arith.addi %add3A_209, %mul3A_208 : i32
        %get3A_211 = arith.index_cast %scan3A_73 : i32 to index
        %get3A_212 = arith.index_cast %add3A_210 : i32 to index
        %get3A_213 = tpu.vector_load %arg4[%get3A_211, %get3A_212] {strides = array<i32>} : memref<4x256xf32, #tpu.memory_space<vmem>>, vector<16xf32>,
        %max3A_214 = arith.maximumf %scan3A_206, %get3A_213 : vector<16xf32>
        scf.yield %max3A_214 : vector<16xf32>
      }
      %scan3A_147 = arith.constant 7 : i32
      %reduce_max3A_148 = arith.constant true
      %reduce_max3A_149 = vector.broadcast %reduce_max3A_148 : i1 to vector<16xi1>
      %reduce_max3A_150 = tpu.scan <max>, %scan3A_146 masked %reduce_max3A_149 : vector<16xf32>, vector<16xi1> -> vector<16xf32>
      %reduce_max3A_151 = vector.extract %reduce_max3A_150[15] : f32 from vector<16xf32>
      %eq3A_152 = arith.constant 0 : i32
      %eq3A_153 = vector.broadcast %eq3A_152 : i32 to vector<16xi32>
      %eq3A_154 = arith.cmpi eq, %iota3A, %eq3A_153 : vector<16xi32>
      %jit3A_155 = arith.constant 0.000000e+00 : f32
      %broadcast_in_dim3A_156 = vector.broadcast %jit3A_155 : f32 to vector<16xf32>
      %select_n3A_157 = arith.select %eq3A_154, %get3A_141, %broadcast_in_dim3A_156 : vector<16xi1>, vector<16xf32>
      %reduce_sum3A_158 = arith.constant true
      %reduce_sum3A_159 = vector.broadcast %reduce_sum3A_158 : i1 to vector<16xi1>
      %reduce_sum3A_160 = tpu.scan <sum>, %select_n3A_157 masked %reduce_sum3A_159 : vector<16xf32>, vector<16xi1> -> vector<16xf32>
      %reduce_sum3A_161 = vector.extract %reduce_sum3A_160[15] : f32 from vector<16xf32>
      %eq3A_162 = arith.constant 1 : i32
      %eq3A_163 = vector.broadcast %eq3A_162 : i32 to vector<16xi32>
      %eq3A_164 = arith.cmpi eq, %iota3A, %eq3A_163 : vector<16xi32>
      %jit3A_165 = arith.constant 0.000000e+00 : f32
      %broadcast_in_dim3A_166 = vector.broadcast %jit3A_165 : f32 to vector<16xf32>
      %select_n3A_167 = arith.select %eq3A_164, %get3A_141, %broadcast_in_dim3A_166 : vector<16xi1>, vector<16xf32>
      %reduce_sum3A_168 = arith.constant true
      %reduce_sum3A_169 = vector.broadcast %reduce_sum3A_168 : i1 to vector<16xi1>
      %reduce_sum3A_170 = tpu.scan <sum>, %select_n3A_167 masked %reduce_sum3A_169 : vector<16xf32>, vector<16xi1> -> vector<16xf32>
      %reduce_sum3A_171 = vector.extract %reduce_sum3A_170[15] : f32 from vector<16xf32>
      %add3A_172 = arith.constant 4.000000e-01 : f32
      %add3A_173 = arith.addf %reduce_max3A_151, %add3A_172 : f32
      %eq3A_174 = arith.constant 0 : i32
      %eq3A_175 = vector.broadcast %eq3A_174 : i32 to vector<16xi32>
      %eq3A_176 = arith.cmpi eq, %iota3A, %eq3A_175 : vector<16xi32>
      %broadcast_in_dim3A_177 = vector.broadcast %reduce_sum3A_171 : f32 to vector<16xf32>
      %broadcast_in_dim3A_178 = vector.broadcast %reduce_sum3A_161 : f32 to vector<16xf32>
      %select_n3A_179 = arith.select %eq3A_176, %broadcast_in_dim3A_177, %broadcast_in_dim3A_178 : vector<16xi1>, vector<16xf32>
      %add3A_180 = arith.constant 4.000000e-01 : f32
      %add3A_181 = vector.broadcast %add3A_180 : f32 to vector<16xf32>
      %add3A_182 = arith.addf %select_n3A_179, %add3A_181 : vector<16xf32>
      %lt3A_183 = vector.broadcast %reduce_max3A_151 : f32 to vector<16xf32>
      %lt3A_184 = arith.cmpf olt, %get3A_141, %lt3A_183 : vector<16xf32>
      %broadcast_in_dim3A_185 = vector.broadcast %add3A_173 : f32 to vector<16xf32>
      %select_n3A_186 = arith.select %lt3A_184, %broadcast_in_dim3A_185, %add3A_182 : vector<16xi1>, vector<16xf32>
      %get3A_187 = arith.index_cast %scan3A_73 : i32 to index
      %get3A_188 = arith.constant 128 : index
      %get3A_189 = tpu.vector_load %arg5[%get3A_187, %get3A_188] {strides = array<i32>} : memref<4x256xf32, #tpu.memory_space<vmem>>, vector<16xf32>,
      %sub3A_190 = arith.subf %select_n3A_186, %get3A_141 : vector<16xf32>
      %max3A_191 = arith.constant 0.000000e+00 : f32
      %max3A_192 = vector.broadcast %max3A_191 : f32 to vector<16xf32>
      %max3A_193 = arith.maximumf %sub3A_190, %max3A_192 : vector<16xf32>
      %mul3A_194 = arith.mulf %max3A_193, %get3A_189 : vector<16xf32>
      %add3A_195 = arith.addf %scan3A_76, %mul3A_194 : vector<16xf32>
      %add3A_196 = arith.addf %scan3A_77, %get3A_189 : vector<16xf32>
      %add3A_197 = arith.constant 4.000000e-01 : f32
      %add3A_198 = arith.addf %reduce_sum3A_161, %add3A_197 : f32
      %scan3A_199 = arith.constant 1 : i32
      %scan3A_200 = arith.constant 7 : i32
      %scan3A_201 = arith.addi %scan3A_199, %scan3A_200 : i32
      %scan3A_202 = arith.constant 1 : i32
      %scan3A_203:2 = scf.for %scan3A_205 = %scan3A_199 to %scan3A_201 step %scan3A_202 iter_args(%scan3A_206 = %add3A_195, %scan3A_207 = %add3A_196) -> (vector<16xf32>, vector<16xf32>)  : i32 {
        %mul3A_208 = arith.constant 16 : i32
        %mul3A_209 = arith.muli %scan3A_205, %mul3A_208 : i32
        %add3A_210 = arith.constant 128 : i32
        %add3A_211 = arith.addi %add3A_210, %mul3A_209 : i32
        %get3A_212 = arith.index_cast %scan3A_73 : i32 to index
        %get3A_213 = arith.index_cast %add3A_211 : i32 to index
        %get3A_214 = tpu.vector_load %arg4[%get3A_212, %get3A_213] {strides = array<i32>} : memref<4x256xf32, #tpu.memory_space<vmem>>, vector<16xf32>,
        %lt3A_215 = vector.broadcast %reduce_max3A_151 : f32 to vector<16xf32>
        %lt3A_216 = arith.cmpf olt, %get3A_214, %lt3A_215 : vector<16xf32>
        %broadcast_in_dim3A_217 = vector.broadcast %add3A_173 : f32 to vector<16xf32>
        %broadcast_in_dim3A_218 = vector.broadcast %add3A_198 : f32 to vector<16xf32>
        %select_n3A_219 = arith.select %lt3A_216, %broadcast_in_dim3A_217, %broadcast_in_dim3A_218 : vector<16xi1>, vector<16xf32>
        %get3A_220 = arith.index_cast %scan3A_73 : i32 to index
        %get3A_221 = arith.index_cast %add3A_211 : i32 to index
        %get3A_222 = tpu.vector_load %arg5[%get3A_220, %get3A_221] {strides = array<i32>} : memref<4x256xf32, #tpu.memory_space<vmem>>, vector<16xf32>,
        %sub3A_223 = arith.subf %select_n3A_219, %get3A_214 : vector<16xf32>
        %max3A_224 = arith.constant 0.000000e+00 : f32
        %max3A_225 = vector.broadcast %max3A_224 : f32 to vector<16xf32>
        %max3A_226 = arith.maximumf %sub3A_223, %max3A_225 : vector<16xf32>
        %mul3A_227 = arith.mulf %max3A_226, %get3A_222 : vector<16xf32>
        %add3A_228 = arith.addf %scan3A_206, %mul3A_227 : vector<16xf32>
        %add3A_229 = arith.addf %scan3A_207, %get3A_222 : vector<16xf32>
        scf.yield %add3A_228, %add3A_229 : vector<16xf32>, vector<16xf32>
      }
      %scan3A_204 = arith.constant 7 : i32
      scf.yield %scan3A_137#0, %scan3A_137#1, %scan3A_203#0, %scan3A_203#1 : vector<16xf32>, vector<16xf32>, vector<16xf32>, vector<16xf32>
    }
    %scan3A_23 = arith.constant 4 : i32
    %eq3A = arith.constant 0 : i32
    %eq3A_24 = vector.broadcast %eq3A : i32 to vector<16xi32>
    %eq3A_25 = arith.cmpi eq, %iota3A, %eq3A_24 : vector<16xi32>
    %reduce_sum3A = arith.constant true
    %reduce_sum3A_26 = vector.broadcast %reduce_sum3A : i1 to vector<16xi1>
    %reduce_sum3A_27 = tpu.scan <sum>, %scan3A_22#0 masked %reduce_sum3A_26 : vector<16xf32>, vector<16xi1> -> vector<16xf32>
    %reduce_sum3A_28 = vector.extract %reduce_sum3A_27[15] : f32 from vector<16xf32>
    %jit3A = arith.constant 0.000000e+00 : f32
    %broadcast_in_dim3A_29 = vector.broadcast %reduce_sum3A_28 : f32 to vector<16xf32>
    %broadcast_in_dim3A_30 = vector.broadcast %jit3A : f32 to vector<16xf32>
    %select_n3A = arith.select %eq3A_25, %broadcast_in_dim3A_29, %broadcast_in_dim3A_30 : vector<16xi1>, vector<16xf32>
    %eq3A_31 = arith.constant 1 : i32
    %eq3A_32 = vector.broadcast %eq3A_31 : i32 to vector<16xi32>
    %eq3A_33 = arith.cmpi eq, %iota3A, %eq3A_32 : vector<16xi32>
    %reduce_sum3A_34 = arith.constant true
    %reduce_sum3A_35 = vector.broadcast %reduce_sum3A_34 : i1 to vector<16xi1>
    %reduce_sum3A_36 = tpu.scan <sum>, %scan3A_22#1 masked %reduce_sum3A_35 : vector<16xf32>, vector<16xi1> -> vector<16xf32>
    %reduce_sum3A_37 = vector.extract %reduce_sum3A_36[15] : f32 from vector<16xf32>
    %jit3A_38 = arith.constant 0.000000e+00 : f32
    %broadcast_in_dim3A_39 = vector.broadcast %reduce_sum3A_37 : f32 to vector<16xf32>
    %broadcast_in_dim3A_40 = vector.broadcast %jit3A_38 : f32 to vector<16xf32>
    %select_n3A_41 = arith.select %eq3A_33, %broadcast_in_dim3A_39, %broadcast_in_dim3A_40 : vector<16xi1>, vector<16xf32>
    %add3A_42 = arith.addf %select_n3A, %select_n3A_41 : vector<16xf32>
    %eq3A_43 = arith.constant 2 : i32
    %eq3A_44 = vector.broadcast %eq3A_43 : i32 to vector<16xi32>
    %eq3A_45 = arith.cmpi eq, %iota3A, %eq3A_44 : vector<16xi32>
    %reduce_sum3A_46 = arith.constant true
    %reduce_sum3A_47 = vector.broadcast %reduce_sum3A_46 : i1 to vector<16xi1>
    %reduce_sum3A_48 = tpu.scan <sum>, %scan3A_22#2 masked %reduce_sum3A_47 : vector<16xf32>, vector<16xi1> -> vector<16xf32>
    %reduce_sum3A_49 = vector.extract %reduce_sum3A_48[15] : f32 from vector<16xf32>
    %jit3A_50 = arith.constant 0.000000e+00 : f32
    %broadcast_in_dim3A_51 = vector.broadcast %reduce_sum3A_49 : f32 to vector<16xf32>
    %broadcast_in_dim3A_52 = vector.broadcast %jit3A_50 : f32 to vector<16xf32>
    %select_n3A_53 = arith.select %eq3A_45, %broadcast_in_dim3A_51, %broadcast_in_dim3A_52 : vector<16xi1>, vector<16xf32>
    %add3A_54 = arith.addf %add3A_42, %select_n3A_53 : vector<16xf32>
    %eq3A_55 = arith.constant 3 : i32
    %eq3A_56 = vector.broadcast %eq3A_55 : i32 to vector<16xi32>
    %eq3A_57 = arith.cmpi eq, %iota3A, %eq3A_56 : vector<16xi32>
    %reduce_sum3A_58 = arith.constant true
    %reduce_sum3A_59 = vector.broadcast %reduce_sum3A_58 : i1 to vector<16xi1>
    %reduce_sum3A_60 = tpu.scan <sum>, %scan3A_22#3 masked %reduce_sum3A_59 : vector<16xf32>, vector<16xi1> -> vector<16xf32>
    %reduce_sum3A_61 = vector.extract %reduce_sum3A_60[15] : f32 from vector<16xf32>
    %jit3A_62 = arith.constant 0.000000e+00 : f32
    %broadcast_in_dim3A_63 = vector.broadcast %reduce_sum3A_61 : f32 to vector<16xf32>
    %broadcast_in_dim3A_64 = vector.broadcast %jit3A_62 : f32 to vector<16xf32>
    %select_n3A_65 = arith.select %eq3A_57, %broadcast_in_dim3A_63, %broadcast_in_dim3A_64 : vector<16xi1>, vector<16xf32>
    %add3A_66 = arith.addf %add3A_54, %select_n3A_65 : vector<16xf32>
    %swap3A = arith.constant 0 : index
    %swap3A_67 = tpu.vector_load %arg6[%swap3A] {strides = array<i32>} : memref<16xf32, #tpu.memory_space<vmem>>, vector<16xf32>,
    tpu.vector_store %arg6[%swap3A], %add3A_66 {strides = array<i32>} : memref<16xf32, #tpu.memory_space<vmem>>, vector<16xf32>,
    %add3A_68 = arith.constant 32 : i32
    %add3A_69 = arith.addi %add3A_68, %arg1 : i32
    "tpu.region"() ({
      %run_scoped3A = tpu.sem_alloc : memref<!tpu.dma_semaphore, #tpu.memory_space<semaphore_mem>>
      %dma_start3A_73 = arith.constant 0 : i32
      %dma_start3A_74 = tpu.memref_slice %arg9[%add3A_69, %dma_start3A_73] : memref<48x16xf32, #tpu.memory_space<vmem_shared>> -> memref<1x16xf32, #tpu.memory_space<vmem_shared>>
      %dma_start3A_75 = tpu.memref_squeeze %dma_start3A_74 : memref<1x16xf32, #tpu.memory_space<vmem_shared>> -> memref<16xf32, #tpu.memory_space<vmem_shared>>
      %dma_start3A_76 = arith.constant 0 : i32
      %dma_start3A_77 = tpu.memref_slice %arg9[%add3A_69, %dma_start3A_76] : memref<48x16xf32, #tpu.memory_space<vmem_shared>> -> memref<1x16xf32, #tpu.memory_space<vmem_shared>>
      %dma_start3A_78 = tpu.memref_squeeze %dma_start3A_77 : memref<1x16xf32, #tpu.memory_space<vmem_shared>> -> memref<16xf32, #tpu.memory_space<vmem_shared>>
      tpu.enqueue_dma source(%arg6 : memref<16xf32, #tpu.memory_space<vmem>>) target(%dma_start3A_78 : memref<16xf32, #tpu.memory_space<vmem_shared>>) target_semaphore(%run_scoped3A : memref<!tpu.dma_semaphore, #tpu.memory_space<semaphore_mem>>)
      %dma_wait3A_79 = arith.constant 0 : i32
      %dma_wait3A_80 = tpu.memref_slice %arg9[%add3A_69, %dma_wait3A_79] : memref<48x16xf32, #tpu.memory_space<vmem_shared>> -> memref<1x16xf32, #tpu.memory_space<vmem_shared>>
      %dma_wait3A_81 = tpu.memref_squeeze %dma_wait3A_80 : memref<1x16xf32, #tpu.memory_space<vmem_shared>> -> memref<16xf32, #tpu.memory_space<vmem_shared>>
      %dma_wait3A_82 = arith.constant 0 : i32
      %dma_wait3A_83 = tpu.memref_slice %arg9[%add3A_69, %dma_wait3A_82] : memref<48x16xf32, #tpu.memory_space<vmem_shared>> -> memref<1x16xf32, #tpu.memory_space<vmem_shared>>
      %dma_wait3A_84 = tpu.memref_squeeze %dma_wait3A_83 : memref<1x16xf32, #tpu.memory_space<vmem_shared>> -> memref<16xf32, #tpu.memory_space<vmem_shared>>
      tpu.wait_dma2 semaphore(%run_scoped3A : memref<!tpu.dma_semaphore, #tpu.memory_space<semaphore_mem>>) src(%arg6 : memref<16xf32, #tpu.memory_space<vmem>>) dst(%dma_wait3A_84 : memref<16xf32, #tpu.memory_space<vmem_shared>>)
      tpu.yield
    }) : () -> ()
    %barrier3A = arith.constant 0 : index
    tpu.barrier barrier_id(%barrier3A)
    %eq3A_70 = arith.constant 0 : i32
    %eq3A_71 = arith.cmpi eq, %arg1, %eq3A_70 : i32
    %convert_element_type3A = arith.extui %eq3A_71 : i1 to i32
    %cond3A = arith.constant 0 : i32
    %cond3A_72 = arith.cmpi ne, %convert_element_type3A, %cond3A : i32
    scf.if %cond3A_72 {
      "tpu.region"() ({
        %run_scoped3A = tpu.sem_alloc : memref<!tpu.dma_semaphore, #tpu.memory_space<semaphore_mem>>
        %dma_start3A_180 = arith.constant 32 : i32
        %dma_start3A_181 = arith.constant 0 : i32
        %dma_start3A_182 = tpu.memref_slice %arg9[%dma_start3A_180, %dma_start3A_181] : memref<48x16xf32, #tpu.memory_space<vmem_shared>> -> memref<16x16xf32, #tpu.memory_space<vmem_shared>>
        %dma_start3A_183 = arith.constant 32 : i32
        %dma_start3A_184 = arith.constant 0 : i32
        %dma_start3A_185 = tpu.memref_slice %arg9[%dma_start3A_183, %dma_start3A_184] : memref<48x16xf32, #tpu.memory_space<vmem_shared>> -> memref<16x16xf32, #tpu.memory_space<vmem_shared>>
        tpu.enqueue_dma source(%dma_start3A_185 : memref<16x16xf32, #tpu.memory_space<vmem_shared>>) target(%arg8 : memref<16x16xf32, #tpu.memory_space<vmem>>) target_semaphore(%run_scoped3A : memref<!tpu.dma_semaphore, #tpu.memory_space<semaphore_mem>>)
        %dma_wait3A_186 = arith.constant 32 : i32
        %dma_wait3A_187 = arith.constant 0 : i32
        %dma_wait3A_188 = tpu.memref_slice %arg9[%dma_wait3A_186, %dma_wait3A_187] : memref<48x16xf32, #tpu.memory_space<vmem_shared>> -> memref<16x16xf32, #tpu.memory_space<vmem_shared>>
        %dma_wait3A_189 = arith.constant 32 : i32
        %dma_wait3A_190 = arith.constant 0 : i32
        %dma_wait3A_191 = tpu.memref_slice %arg9[%dma_wait3A_189, %dma_wait3A_190] : memref<48x16xf32, #tpu.memory_space<vmem_shared>> -> memref<16x16xf32, #tpu.memory_space<vmem_shared>>
        tpu.wait_dma2 semaphore(%run_scoped3A : memref<!tpu.dma_semaphore, #tpu.memory_space<semaphore_mem>>) src(%dma_wait3A_191 : memref<16x16xf32, #tpu.memory_space<vmem_shared>>) dst(%arg8 : memref<16x16xf32, #tpu.memory_space<vmem>>)
        tpu.yield
      }) : () -> ()
      %get3A = arith.constant 0 : i32
      %get3A_73 = arith.index_cast %get3A : i32 to index
      %get3A_74 = arith.constant 0 : index
      %get3A_75 = tpu.vector_load %arg8[%get3A_73, %get3A_74] {strides = array<i32>} : memref<16x16xf32, #tpu.memory_space<vmem>>, vector<16xf32>,
      %scan3A_76 = arith.constant 1 : i32
      %scan3A_77 = arith.constant 15 : i32
      %scan3A_78 = arith.addi %scan3A_76, %scan3A_77 : i32
      %scan3A_79 = arith.constant 1 : i32
      %scan3A_80 = scf.for %scan3A_180 = %scan3A_76 to %scan3A_78 step %scan3A_79 iter_args(%scan3A_181 = %get3A_75) -> (vector<16xf32>)  : i32 {
        %get3A_182 = arith.index_cast %scan3A_180 : i32 to index
        %get3A_183 = arith.constant 0 : index
        %get3A_184 = tpu.vector_load %arg8[%get3A_182, %get3A_183] {strides = array<i32>} : memref<16x16xf32, #tpu.memory_space<vmem>>, vector<16xf32>,
        %add3A_185 = arith.addf %scan3A_181, %get3A_184 : vector<16xf32>
        scf.yield %add3A_185 : vector<16xf32>
      }
      %scan3A_81 = arith.constant 15 : i32
      %eq3A_82 = arith.constant 0 : i32
      %eq3A_83 = vector.broadcast %eq3A_82 : i32 to vector<16xi32>
      %eq3A_84 = arith.cmpi eq, %iota3A, %eq3A_83 : vector<16xi32>
      %jit3A_85 = arith.constant 0.000000e+00 : f32
      %broadcast_in_dim3A_86 = vector.broadcast %jit3A_85 : f32 to vector<16xf32>
      %select_n3A_87 = arith.select %eq3A_84, %scan3A_80, %broadcast_in_dim3A_86 : vector<16xi1>, vector<16xf32>
      %reduce_sum3A_88 = arith.constant true
      %reduce_sum3A_89 = vector.broadcast %reduce_sum3A_88 : i1 to vector<16xi1>
      %reduce_sum3A_90 = tpu.scan <sum>, %select_n3A_87 masked %reduce_sum3A_89 : vector<16xf32>, vector<16xi1> -> vector<16xf32>
      %reduce_sum3A_91 = vector.extract %reduce_sum3A_90[15] : f32 from vector<16xf32>
      %eq3A_92 = arith.constant 1 : i32
      %eq3A_93 = vector.broadcast %eq3A_92 : i32 to vector<16xi32>
      %eq3A_94 = arith.cmpi eq, %iota3A, %eq3A_93 : vector<16xi32>
      %jit3A_95 = arith.constant 0.000000e+00 : f32
      %broadcast_in_dim3A_96 = vector.broadcast %jit3A_95 : f32 to vector<16xf32>
      %select_n3A_97 = arith.select %eq3A_94, %scan3A_80, %broadcast_in_dim3A_96 : vector<16xi1>, vector<16xf32>
      %reduce_sum3A_98 = arith.constant true
      %reduce_sum3A_99 = vector.broadcast %reduce_sum3A_98 : i1 to vector<16xi1>
      %reduce_sum3A_100 = tpu.scan <sum>, %select_n3A_97 masked %reduce_sum3A_99 : vector<16xf32>, vector<16xi1> -> vector<16xf32>
      %reduce_sum3A_101 = vector.extract %reduce_sum3A_100[15] : f32 from vector<16xf32>
      %eq3A_102 = arith.constant 2 : i32
      %eq3A_103 = vector.broadcast %eq3A_102 : i32 to vector<16xi32>
      %eq3A_104 = arith.cmpi eq, %iota3A, %eq3A_103 : vector<16xi32>
      %jit3A_105 = arith.constant 0.000000e+00 : f32
      %broadcast_in_dim3A_106 = vector.broadcast %jit3A_105 : f32 to vector<16xf32>
      %select_n3A_107 = arith.select %eq3A_104, %scan3A_80, %broadcast_in_dim3A_106 : vector<16xi1>, vector<16xf32>
      %reduce_sum3A_108 = arith.constant true
      %reduce_sum3A_109 = vector.broadcast %reduce_sum3A_108 : i1 to vector<16xi1>
      %reduce_sum3A_110 = tpu.scan <sum>, %select_n3A_107 masked %reduce_sum3A_109 : vector<16xf32>, vector<16xi1> -> vector<16xf32>
      %reduce_sum3A_111 = vector.extract %reduce_sum3A_110[15] : f32 from vector<16xf32>
      %eq3A_112 = arith.constant 3 : i32
      %eq3A_113 = vector.broadcast %eq3A_112 : i32 to vector<16xi32>
      %eq3A_114 = arith.cmpi eq, %iota3A, %eq3A_113 : vector<16xi32>
      %jit3A_115 = arith.constant 0.000000e+00 : f32
      %broadcast_in_dim3A_116 = vector.broadcast %jit3A_115 : f32 to vector<16xf32>
      %select_n3A_117 = arith.select %eq3A_114, %scan3A_80, %broadcast_in_dim3A_116 : vector<16xi1>, vector<16xf32>
      %reduce_sum3A_118 = arith.constant true
      %reduce_sum3A_119 = vector.broadcast %reduce_sum3A_118 : i1 to vector<16xi1>
      %reduce_sum3A_120 = tpu.scan <sum>, %select_n3A_117 masked %reduce_sum3A_119 : vector<16xf32>, vector<16xi1> -> vector<16xf32>
      %reduce_sum3A_121 = vector.extract %reduce_sum3A_120[15] : f32 from vector<16xf32>
      %eq3A_122 = arith.constant 0 : i32
      %eq3A_123 = vector.broadcast %eq3A_122 : i32 to vector<16xi32>
      %eq3A_124 = arith.cmpi eq, %iota3A, %eq3A_123 : vector<16xi32>
      %jit3A_125 = arith.constant 0.000000e+00 : f32
      %broadcast_in_dim3A_126 = vector.broadcast %reduce_sum3A_91 : f32 to vector<16xf32>
      %broadcast_in_dim3A_127 = vector.broadcast %jit3A_125 : f32 to vector<16xf32>
      %select_n3A_128 = arith.select %eq3A_124, %broadcast_in_dim3A_126, %broadcast_in_dim3A_127 : vector<16xi1>, vector<16xf32>
      %eq3A_129 = arith.constant 1 : i32
      %eq3A_130 = vector.broadcast %eq3A_129 : i32 to vector<16xi32>
      %eq3A_131 = arith.cmpi eq, %iota3A, %eq3A_130 : vector<16xi32>
      %jit3A_132 = arith.constant 0.000000e+00 : f32
      %broadcast_in_dim3A_133 = vector.broadcast %reduce_sum3A_111 : f32 to vector<16xf32>
      %broadcast_in_dim3A_134 = vector.broadcast %jit3A_132 : f32 to vector<16xf32>
      %select_n3A_135 = arith.select %eq3A_131, %broadcast_in_dim3A_133, %broadcast_in_dim3A_134 : vector<16xi1>, vector<16xf32>
      %add3A_136 = arith.addf %select_n3A_128, %select_n3A_135 : vector<16xf32>
      %ge3A = arith.constant 0 : i32
      %ge3A_137 = vector.broadcast %ge3A : i32 to vector<16xi32>
      %ge3A_138 = arith.cmpi sge, %iota3A, %ge3A_137 : vector<16xi32>
      %jit3A_139 = arith.constant 0.000000e+00 : f32
      %broadcast_in_dim3A_140 = vector.broadcast %reduce_sum3A_121 : f32 to vector<16xf32>
      %broadcast_in_dim3A_141 = vector.broadcast %jit3A_139 : f32 to vector<16xf32>
      %select_n3A_142 = arith.select %ge3A_138, %broadcast_in_dim3A_140, %broadcast_in_dim3A_141 : vector<16xi1>, vector<16xf32>
      %eq3A_143 = arith.constant 0 : i32
      %eq3A_144 = vector.broadcast %eq3A_143 : i32 to vector<16xi32>
      %eq3A_145 = arith.cmpi eq, %iota3A, %eq3A_144 : vector<16xi32>
      %max3A = arith.constant 1.000000e+00 : f32
      %max3A_146 = vector.broadcast %max3A : f32 to vector<16xf32>
      %max3A_147 = arith.maximumf %select_n3A_142, %max3A_146 : vector<16xf32>
      %broadcast_in_dim3A_148 = vector.broadcast %reduce_sum3A_101 : f32 to vector<16xf32>
      %select_n3A_149 = arith.select %eq3A_145, %broadcast_in_dim3A_148, %max3A_147 : vector<16xi1>, vector<16xf32>
      %div3A = arith.divf %add3A_136, %select_n3A_149 : vector<16xf32>
      %eq3A_150 = arith.constant 0 : i32
      %eq3A_151 = vector.broadcast %eq3A_150 : i32 to vector<16xi32>
      %eq3A_152 = arith.cmpi eq, %iota3A, %eq3A_151 : vector<16xi32>
      %eq3A_153 = arith.constant 1 : i32
      %eq3A_154 = vector.broadcast %eq3A_153 : i32 to vector<16xi32>
      %eq3A_155 = arith.cmpi eq, %iota3A, %eq3A_154 : vector<16xi32>
      %ge3A_156 = arith.constant 3.000000e+00 : f32
      %ge3A_157 = vector.broadcast %ge3A_156 : f32 to vector<16xf32>
      %ge3A_158 = arith.cmpf oge, %select_n3A_142, %ge3A_157 : vector<16xf32>
      %and3A = arith.andi %eq3A_155, %ge3A_158 : vector<16xi1>
      %or3A = arith.ori %eq3A_152, %and3A : vector<16xi1>
      %jit3A_159 = arith.constant 1.000000e+00 : f32
      %jit3A_160 = arith.constant 0.000000e+00 : f32
      %broadcast_in_dim3A_161 = vector.broadcast %jit3A_159 : f32 to vector<16xf32>
      %broadcast_in_dim3A_162 = vector.broadcast %jit3A_160 : f32 to vector<16xf32>
      %select_n3A_163 = arith.select %or3A, %broadcast_in_dim3A_161, %broadcast_in_dim3A_162 : vector<16xi1>, vector<16xf32>
      %mul3A_164 = arith.mulf %div3A, %select_n3A_163 : vector<16xf32>
      %reduce_sum3A_165 = arith.constant true
      %reduce_sum3A_166 = vector.broadcast %reduce_sum3A_165 : i1 to vector<16xi1>
      %reduce_sum3A_167 = tpu.scan <sum>, %mul3A_164 masked %reduce_sum3A_166 : vector<16xf32>, vector<16xi1> -> vector<16xf32>
      %reduce_sum3A_168 = vector.extract %reduce_sum3A_167[15] : f32 from vector<16xf32>
      %eq3A_169 = arith.constant 0 : i32
      %eq3A_170 = vector.broadcast %eq3A_169 : i32 to vector<16xi32>
      %eq3A_171 = arith.cmpi eq, %iota3A, %eq3A_170 : vector<16xi32>
      %jit3A_172 = arith.constant 0.000000e+00 : f32
      %broadcast_in_dim3A_173 = vector.broadcast %reduce_sum3A_168 : f32 to vector<16xf32>
      %broadcast_in_dim3A_174 = vector.broadcast %jit3A_172 : f32 to vector<16xf32>
      %select_n3A_175 = arith.select %eq3A_171, %broadcast_in_dim3A_173, %broadcast_in_dim3A_174 : vector<16xi1>, vector<16xf32>
      %swap3A_176 = arith.constant 0 : i32
      %swap3A_177 = arith.index_cast %swap3A_176 : i32 to index
      %swap3A_178 = arith.constant 0 : index
      %swap3A_179 = tpu.vector_load %arg7[%swap3A_177, %swap3A_178] {strides = array<i32>} : memref<1x16xf32, #tpu.memory_space<vmem>>, vector<16xf32>,
      tpu.vector_store %arg7[%swap3A_177, %swap3A_178], %select_n3A_175 {strides = array<i32>} : memref<1x16xf32, #tpu.memory_space<vmem>>, vector<16xf32>,
      "tpu.region"() ({
        %run_scoped3A = tpu.sem_alloc : memref<!tpu.dma_semaphore, #tpu.memory_space<semaphore_mem>>
        tpu.enqueue_dma source(%arg7 : memref<1x16xf32, #tpu.memory_space<vmem>>) target(%arg3 : memref<1x16xf32, #tpu.memory_space<hbm>>) target_semaphore(%run_scoped3A : memref<!tpu.dma_semaphore, #tpu.memory_space<semaphore_mem>>)
        tpu.wait_dma2 semaphore(%run_scoped3A : memref<!tpu.dma_semaphore, #tpu.memory_space<semaphore_mem>>) src(%arg7 : memref<1x16xf32, #tpu.memory_space<vmem>>) dst(%arg3 : memref<1x16xf32, #tpu.memory_space<hbm>>)
        tpu.yield
      }) : () -> ()
    } else {
    }
    return
  }
}

module attributes {stable_mosaic.version = 14 : i64} {
  func.func @_sim_body(%arg0: memref<64x1024xf32, #tpu.memory_space<vmem>>, %arg1: memref<256x1024xf32, #tpu.memory_space<vmem>>, %arg2: memref<64x256xi32, #tpu.memory_space<vmem>>, %arg3: memref<128x256xf32, #tpu.memory_space<vmem>>) attributes {dimension_semantics = [], scalar_prefetch = 0 : i64, scratch_operands = 0 : i64, tpu.core_type = #tpu.core_type<tc>} {
    %get3A = arith.constant 0 : index
    %get3A_0 = arith.constant 0 : index
    %get3A_1 = vector.load %arg0[%get3A, %get3A_0] : memref<64x1024xf32, #tpu.memory_space<vmem>>, vector<64x1024xf32>
    %get3A_2 = arith.constant 0 : index
    %get3A_3 = arith.constant 0 : index
    %get3A_4 = vector.load %arg1[%get3A_2, %get3A_3] : memref<256x1024xf32, #tpu.memory_space<vmem>>, vector<256x1024xf32>
    %mul3A = arith.mulf %get3A_1, %get3A_1 : vector<64x1024xf32>
    %reduce_sum3A = arith.constant dense<0.000000e+00> : vector<64xf32>
    %reduce_sum3A_5 = vector.multi_reduction <add>, %mul3A, %reduce_sum3A [1] : vector<64x1024xf32> to vector<64xf32>
    %broadcast_in_dim3A = vector.shape_cast %reduce_sum3A_5 : vector<64xf32> to vector<64x1xf32>
    %sqrt3A = math.sqrt %broadcast_in_dim3A : vector<64x1xf32>
    %max3A = arith.constant 9.99999996E-13 : f32
    %max3A_6 = vector.broadcast %max3A : f32 to vector<64x1xf32>
    %max3A_7 = arith.maximumf %sqrt3A, %max3A_6 : vector<64x1xf32>
    %div3A = vector.broadcast %max3A_7 : vector<64x1xf32> to vector<64x1024xf32>
    %div3A_8 = arith.divf %get3A_1, %div3A : vector<64x1024xf32>
    %mul3A_9 = arith.mulf %get3A_4, %get3A_4 : vector<256x1024xf32>
    %reduce_sum3A_10 = arith.constant dense<0.000000e+00> : vector<256xf32>
    %reduce_sum3A_11 = vector.multi_reduction <add>, %mul3A_9, %reduce_sum3A_10 [1] : vector<256x1024xf32> to vector<256xf32>
    %broadcast_in_dim3A_12 = vector.shape_cast %reduce_sum3A_11 : vector<256xf32> to vector<256x1xf32>
    %sqrt3A_13 = math.sqrt %broadcast_in_dim3A_12 : vector<256x1xf32>
    %max3A_14 = arith.constant 9.99999996E-13 : f32
    %max3A_15 = vector.broadcast %max3A_14 : f32 to vector<256x1xf32>
    %max3A_16 = arith.maximumf %sqrt3A_13, %max3A_15 : vector<256x1xf32>
    %div3A_17 = vector.broadcast %max3A_16 : vector<256x1xf32> to vector<256x1024xf32>
    %div3A_18 = arith.divf %get3A_4, %div3A_17 : vector<256x1024xf32>
    %dot_general3A = arith.constant dense<0.000000e+00> : vector<64x256xf32>
    %dot_general3A_19 = tpu.matmul %div3A_8, %div3A_18, %dot_general3A {dimension_numbers = #tpu.dot_dimension_numbers<[1], [1], [0], [0], [0, 0, 1, 0], [], []>, transpose_lhs_hint = false} : vector<64x1024xf32>, vector<256x1024xf32>, vector<64x256xf32> -> vector<64x256xf32>
    %swap3A = arith.constant 0 : index
    %swap3A_20 = arith.constant 0 : index
    %swap3A_21 = vector.load %arg3[%swap3A, %swap3A_20] : memref<128x256xf32, #tpu.memory_space<vmem>>, vector<64x256xf32>
    tpu.vector_store %arg3[%swap3A, %swap3A_20], %dot_general3A_19 {strides = array<i32>} : memref<128x256xf32, #tpu.memory_space<vmem>>, vector<64x256xf32>,
    %get3A_22 = arith.constant 0 : index
    %get3A_23 = arith.constant 0 : index
    %get3A_24 = vector.load %arg2[%get3A_22, %get3A_23] : memref<64x256xi32, #tpu.memory_space<vmem>>, vector<64x256xi32>
    %ne3A = arith.constant 0 : i32
    %ne3A_25 = vector.broadcast %ne3A : i32 to vector<64x256xi32>
    %ne3A_26 = arith.cmpi ne, %get3A_24, %ne3A_25 : vector<64x256xi32>
    %jit3A = arith.constant 1.000000e+00 : f32
    %jit3A_27 = arith.constant 0.000000e+00 : f32
    %broadcast_in_dim3A_28 = vector.broadcast %jit3A : f32 to vector<64x256xf32>
    %broadcast_in_dim3A_29 = vector.broadcast %jit3A_27 : f32 to vector<64x256xf32>
    %select_n3A = arith.select %ne3A_26, %broadcast_in_dim3A_28, %broadcast_in_dim3A_29 : vector<64x256xi1>, vector<64x256xf32>
    %swap3A_30 = arith.constant 64 : index
    %swap3A_31 = arith.constant 0 : index
    %swap3A_32 = vector.load %arg3[%swap3A_30, %swap3A_31] : memref<128x256xf32, #tpu.memory_space<vmem>>, vector<64x256xf32>
    tpu.vector_store %arg3[%swap3A_30, %swap3A_31], %select_n3A {strides = array<i32>} : memref<128x256xf32, #tpu.memory_space<vmem>>, vector<64x256xf32>,
    return
  }
}

</mosaic_0001>

<sc_bundles>
// kernel: kernel.4.cloned.1.call-start
scs
__scs_entry_jumppad:
0x0: {  	(pc) =	sbr.rel $0x88, $3  }
0x1: {  	(tag) =	ssettag $0x0;
	lr =	simm.s32 $0x1  }
0x2: {  	[smem:$0x3F9E] =	sst lr;
	_ =	strace $0xD0000000  }
0x3: {  	_ = 	snop  }
0x4: {  	_ = 	snop  }
0x5: {  	_ = 	snop  }
0x6: {  	_ = 	snop  }
0x7: {  	_ = 	snop  }
__scs_overlays_trampoline_lowered:
0x8: {  	[smem:$0x3FAD] =	sst s0  }
0x9: {  	[smem:$0x3FAE] =	sst s1  }
0xa: {  	[smem:$0x3FAF] =	sst s2  }
0xb: {  	[smem:$0x3FB0] =	sst s3  }
0xc: {  	[smem:$0x3FB1] =	sst s4  }
0xd: {  	[smem:$0x3FB2] =	sst s5  }
0xe: {  	[smem:$0x3FB3] =	sst s6  }
0xf: {  	[smem:$0x3FB4] =	sst s7  }
0x10: {  	[smem:$0x3FB5] =	sst s8  }
0x11: {  	[smem:$0x3FB6] =	sst s9;
	s0 =	simm.s32 @!p0 $0x0  }
0x12: {  	s1 =	sld [smem:$0x3F9C];
	s0 =	simm.s32 @p0 $0x1  }
0x13: {  	[smem:$0x3FB7] =	sst s0;
	s0 =	simm.s32 @!p1 $0x0  }
0x14: {  	s2 =	sld [smem:$0x3F9B];
	s0 =	simm.s32 @p1 $0x1  }
0x15: {  	[smem:$0x3FB8] =	sst s0;
	s0 =	simm.s32 @!p2 $0x0  }
0x16: {  	s3 =	sld [smem:$0x3FDB];
	s0 =	simm.s32 @p2 $0x1  }
0x17: {  	s4 =	simm.s32 $0x1BF5;
	[smem:$0x3FBA] =	sst s0  }
0x18: {  	s0 =	sld [smem:$0x3F9D];
	_ =	swait.ge [sflag:s4], $0x0  }
0x19: {  	s7 =	sld [smem:$0x3F9E]  }
0x1a: {  	s8 =	sadd.s32 $0xFFFFE003, lr  }
0x1b: {  	s9 =	sadd.s32 $0xFFFFFEF7, lr;
	s5 =	simm.s32 $0xFFFFFFFF;
	p2 =	slt.u32 s8, $0xFFFFF086  }
0x1c: {  	p1 =	slt.u32 s9, $0xF7A;
	s5 =	simm.s32 @!p2 $0x0  }
0x1d: {  	s5 =	simm.s32 @p1 $0x1;
	p0 =	seq.s32 s7, s2  }
0x1e: {  	s7 =	smul.u32 @!p0 $0xF7A, s2;
	p2 =	seq.s32 @!p0 s5, $0x0  }
0x1f: {  	s9 =	smul.u32 $0xF7A, s1;
	s8 =	simm.s32 @!p0 $0x1BF5;
	p2 =	por !p2, p0  }
0x20: {  	[sflag:s8] =	ssyncset.s32 @!p0 $0xFFFFF086;
	s6 =	sadd.s32 @!p0 s3, s7;
	s7 =	simm.s32 @!p0 $0x108  }
0x21: {  	s3 =	sadd.s32 s3, s9;
	s6 =	sadd.s32 @!p0 $0x88, s6;
	s7 =	simm.s32 @p2 $0x1082  }
0x22: {  	[simem:s7], [sflag:s8] =	dma.local @!p0 [hbm:s6], $0xF7A  }
0x23: {  	s9 =	sor.u32 $0xD0000000, s2;
	s6 =	simm.s32 $0x108;
	_ =	swait.ge @!p0 [sflag:s8], $0x0  }
0x24: {  	s3 =	sadd.s32 $0x88, s3;
	s6 =	simm.s32 @!p1 $0x1082;
	[sflag:s4] =	ssyncset.s32 $0xFFFFF086  }
0x25: {  	[simem:s6], [sflag:s4] =	dma.local [hbm:s3], $0xF7A  }
0x26: {  	[smem:$0x3F9E] =	sst s1;
	(tag) =	ssettag s2;
	_ =	strace s9  }
0x27: {  	s1 =	sld [smem:$0x3FAE]  }
0x28: {  	s2 =	sld [smem:$0x3FAF]  }
0x29: {  	s4 =	sld [smem:$0x3FB1]  }
0x2a: {  	p0 =	seq.s32 s5, $0x0;
	s5 =	sld [smem:$0x3FB2]  }
0x2b: {  	s6 =	sld [smem:$0x3FB3]  }
0x2c: {  	s7 =	sld [smem:$0x3FB4]  }
0x2d: {  	s3 =	simm.s32 $0x108;
	s8 =	sld [smem:$0x3FB5]  }
0x2e: {  	s3 =	simm.s32 @!p0 $0x1082;
	s9 =	sld [smem:$0x3FB6]  }
0x2f: {  	lr =	sadd.s32 s0, s3;
	s0 =	sld [smem:$0x3FAD]  }
0x30: {  	s3 =	sld [smem:$0x3FB0]  }
0x31: {  	[smem:$0x3FB9] =	sst s10  }
0x32: {  	s10 =	sld [smem:$0x3FB7];
	_ =	sdelay $0x3  }
0x33: {  	p0 =	seq.s32 s10, $0x1;
	s10 =	sld [smem:$0x3FB9];
	_ =	sdelay $0x3  }
0x34: {  	[smem:$0x3FB9] =	sst s10  }
0x35: {  	s10 =	sld [smem:$0x3FB8];
	_ =	sdelay $0x3  }
0x36: {  	p1 =	seq.s32 s10, $0x1;
	s10 =	sld [smem:$0x3FB9];
	_ =	sdelay $0x3  }
0x37: {  	[smem:$0x3FB9] =	sst s10  }
0x38: {  	s10 =	sld [smem:$0x3FBA]  }
0x39: {  	_ = 	snop;
	(pc) =	sbr.ind lr, $3  }
0x3a: {  	_ = 	snop  }
0x3b: {  	_ = 	snop  }
0x3c: {  	p2 =	seq.s32 s10, $0x1;
	s10 =	sld [smem:$0x3FB9]  }
0x3d: {  	_ =	shalt  }
0x3e: {  	_ =	shalt  }
0x3f: {  	_ =	shalt  }
0x40: {  	_ =	shalt  }
0x41: {  	_ =	shalt  }
0x42: {  	_ =	shalt  }
0x43: {  	_ =	shalt  }
0x44: {  	_ =	shalt  }
0x45: {  	_ =	shalt  }
0x46: {  	_ =	shalt  }
0x47: {  	_ =	shalt  }
0x48: {  	_ =	shalt  }
0x49: {  	_ =	shalt  }
0x4a: {  	_ =	shalt  }
0x4b: {  	_ =	shalt  }
0x4c: {  	_ =	shalt  }
0x4d: {  	_ =	shalt  }
0x4e: {  	_ =	shalt  }
0x4f: {  	_ =	shalt  }
0x50: {  	_ =	shalt  }
0x51: {  	_ =	shalt  }
0x52: {  	_ =	shalt  }
0x53: {  	_ =	shalt  }
0x54: {  	_ =	shalt  }
0x55: {  	_ =	shalt  }
0x56: {  	_ =	shalt  }
0x57: {  	_ =	shalt  }
0x58: {  	_ =	shalt  }
0x59: {  	_ =	shalt  }
0x5a: {  	_ =	shalt  }
0x5b: {  	_ =	shalt  }
0x5c: {  	_ =	shalt  }
0x5d: {  	_ =	shalt  }
0x5e: {  	_ =	shalt  }
0x5f: {  	_ =	shalt  }
0x60: {  	_ =	shalt  }
0x61: {  	_ =	shalt  }
0x62: {  	_ =	shalt  }
0x63: {  	_ =	shalt  }
0x64: {  	_ =	shalt  }
0x65: {  	_ =	shalt  }
0x66: {  	_ =	shalt  }
0x67: {  	_ =	shalt  }
0x68: {  	_ =	shalt  }
0x69: {  	_ =	shalt  }
0x6a: {  	_ =	shalt  }
0x6b: {  	_ =	shalt  }
0x6c: {  	_ =	shalt  }
0x6d: {  	_ =	shalt  }
0x6e: {  	_ =	shalt  }
0x6f: {  	_ =	shalt  }
0x70: {  	_ =	shalt  }
0x71: {  	_ =	shalt  }
0x72: {  	_ =	shalt  }
0x73: {  	_ =	shalt  }
0x74: {  	_ =	shalt  }
0x75: {  	_ =	shalt  }
0x76: {  	_ =	shalt  }
0x77: {  	_ =	shalt  }
0x78: {  	_ =	shalt  }
0x79: {  	_ =	shalt  }
0x7a: {  	_ =	shalt  }
0x7b: {  	_ =	shalt  }
0x7c: {  	_ =	shalt  }
0x7d: {  	_ =	shalt  }
0x7e: {  	_ =	shalt  }
0x7f: {  	_ =	shalt  }
0x80: {  	_ =	shalt  }
0x81: {  	_ =	shalt  }
0x82: {  	_ =	shalt  }
0x83: {  	_ =	shalt  }
0x84: {  	_ =	shalt  }
0x85: {  	_ =	shalt  }
0x86: {  	_ =	shalt  }
0x87: {  	_ =	shalt  }
.Lfunc_end0:
.L_simem_size_0:
called_computation_lowered:
.L_overlay_start_0:
0x88: {  	s0 =	sld [smem:$0x3FD9]  }
0x89: {  	s1 =	sld [smem:$0x3FFE];
	_ =	sdelay $0x3  }
0x8a: {  	s0 =	sadd.s32 s1, s0  }
0x8b: {  	[smem:$0x3FC5] =	sst s0  }
0x8c: {  	_ = 	snop  }
0x8d: {  	s0 =	sld [smem:$0x3FD0];
	(tm) =	ssettm $0x1  }
0x8e: {  	s16 =	sld [smem:$0x3FFB];
	_ =	sdelay $0x3  }
0x8f: {  	_ =	strace s16  }
0x90: {  	s1 =	sld [smem:$0x3FFC];
	_ =	sdelay $0x3  }
0x91: {  	_ =	strace s1  }
0x92: {  	s1 =	sld [smem:$0x3FFD];
	_ =	sdelay $0x3  }
0x93: {  	_ =	strace s1  }
0x94: {  	_ =	strace $0x8FFFFFFF  }
0x95: {  	s17 =	sld [smem:$0x3FDB];
	_ =	sdelay $0x1  }
0x96: {  	s2 =	simm.s32 $_scs_section_size  }
0x97: {  	s3 =	simm.s32 $_size__tile_overlayer_lowered;
	s4 =	simm.s32 $_tile_overlayer_lowered  }
0x98: {  	s20 =	simm.s32 $0x1BFF;
	s19 =	sshll.u32 s4, $0x1;
	s1 =	sadd.s32 s2, s17  }
0x99: {  	s5 =	simm.s32 $0x0;
	s18 =	sshll.u32 s3, $0x1;
	s3 =	sadd.s32 s19, s1  }
0x9a: {  	[timem:s5], [sflag:s20] =	dma.local [hbm:s3], s18  }
0x9b: {  	_ =	swait.ge [sflag:s20], s18  }
0x9c: {  	s2 =	ssub.s32 $0x0, s18;
	[sflag:s20] =	ssyncset.done $0x0  }
0x9d: {  	[sflag:s20] =	ssyncadd.s32 s2;
	_ =	sdelay $0x1  }
0x9e: {  	s21 =	simm.s32 $0x1B8B  }
0x9f: {  	_ =	swait.ge [sflag:s21], $0x1  }
0xa0: {  	[sflag:s21] =	ssyncset.done $0x0  }
0xa1: {  	s23 =	simm.s32 $0x1B8E;
	s22 =	sld [smem:$0x3FFE];
	[sflag:s21] =	ssyncadd.s32 $0xFFFFFFFF  }
0xa2: {  	s24 =	simm.s32 $execute0_lowered;
	[smem:$0x3FD2] =	sst s23  }
0xa3: {  	s3 =	sshll.u32 s24, $0x1;
	_ =	strace $0x80000046;
	[dreg:$0x1] =	wrdreg $0xFFFFFFFF  }
0xa4: {  	s25 =	simm.s32 $_size_execute0_lowered;
	s1 =	sadd.s32 s1, s3;
	[dreg:$0x0] =	wrdreg $0x0  }
0xa5: {  	s3 =	sshll.u32 s25, $0x1;
	[dreg:$0x2] =	wrdreg s1  }
0xa6: {  	[dreg:$0x3] =	wrdreg s3  }
0xa7: {  	[dreg:$0x4] =	wrdreg $0xC0  }
0xa8: {  	_ =	task [dreg:s5], $0x5FFFF  }
0xa9: {  	[dreg:$0x1] =	wrdreg $0xFFFFFFFF  }
0xaa: {  	[dreg:$0x0] =	wrdreg $0x60  }
0xab: {  	[dreg:$0x2] =	wrdreg s22  }
0xac: {  	[dreg:$0x3] =	wrdreg s0  }
0xad: {  	[dreg:$0x4] =	wrdreg $0x11000  }
0xae: {  	[dreg:$0x5] =	wrdreg $0x9  }
0xaf: {  	_ =	task.clear_ibuf [dreg:s5], $0x6FFFF;
	_ =	strace $0x90000046  }
0xb0: {  	s26 =	simm.s32 $0x9;
	_ =	strace $0x80000048  }
0xb1: {  	_ =	swait.ge [sflag:s26], $0x1  }
0xb2: {  	[sflag:s26] =	ssyncadd.s32 $0xFFFFFFFF  }
0xb3: {  	_ =	strace $0x90000048  }
0xb4: {  	_ =	sfence  }
0xb5: {  	s28 =	sld [smem:$0x0];
	_ =	sdelay $0x1  }
0xb6: {  	s29 =	srdreg.scid  }
0xb7: {  	s30 =	sshll.u32 s29, $0xD;
	s31 =	sshrl.u32 s29, $0x2  }
0xb8: {  	s2 =	sand.u32 $0x4000, s30;
	s1 =	sand.u32 $0x1, s29;
	s0 =	sadd.s32 s31, s28  }
0xb9: {  	s1 =	sor.u32 s2, s1;
	s0 =	sshll.u32 s0, $0x11  }
0xba: {  	s0 =	sor.u32 s0, s1  }
0xbb: {  	s0 =	sadd.s32 $0x8F2B, s0  }
0xbc: {  	[sflag:s0] =	ssyncadd.remote.s32 $0x1  }
0xbd: {  	_ =	sfence.sel $0xFFFF  }
0xbe: {  	[dreg:$0x0] =	wrdreg $0xFFFFFFFF;
	(pc) =	sbr.abs _section_cstart, $3  }
0xbf: {  	[dreg:$0x1] =	wrdreg $0xFFFFFFFF  }
0xc0: {  	_ =	task.clear_ibuf [dreg:s5], $0x2FFFF;
	_ =	strace $0x9FFFFFFF  }
0xc1: {  	(tm) =	ssettm $0x7FFFFFFF  }
tec
execute0_lowered:
.L_overlay_start_1:
0x0: {  	(tag) =	ssettag $0x1  }
0x1: {  	s3 =	stileid.u32  }
0x2: {  	s5 =	rddreg [dreg:$0x0];
	s0 =	sshll.u32 s3, $0xA;
	s4 =	sshll.u32 s3, $0x9  }
0x3: {  	s1 =	rddreg [dreg:$0x1];
	s6 =	sand.u32 $0x3800, s0;
	s7 =	sand.u32 $0x200, s4  }
0x4: {  	s2 =	rddreg [dreg:$0x2];
	s6 =	sor.u32 s7, s6  }
0x5: {  	s8 =	simm.s32 $0x0;
	s18 =	simm.s32 $0x200;
	s6 =	sshrl.u32 s6, $0x3  }
0x6: {  	s9 =	simm.s32 $0x400;
	[smem:$0x7FF] =	sst s8;
	s5 =	sadd.s32 s6, s5  }
0x7: {  	s0 =	rddreg [dreg:$0x3];
	_ =	strace $0x80000047;
	s6 =	sadd.s32 $0xC00, s5  }
0x8: {  	[tilespmem:s8], [sflag:$0x1] =	stream.strided.gather [hbm4b:s6+s18], $0x400, s9, s18, $0x38;
	[tilespmem:$0x1130] =	vst v63  }
0x9: {  	s19 =	simm.s32 $0x1;
	s5 =	sadd.s32 $0x1400, s5  }
0xa: {  	[tilespmem:s9], [sflag:$0x2] =	stream.strided.gather [hbm4b:s5+s18], $0x400, s9, s18, $0x38;
	[tilespmem:$0x1130] =	vst v63  }
0xb: {  	_ =	swait.ge [sflag:s19], $0x400  }
0xc: {  	[sflag:s19] =	ssyncset.done $0x0  }
0xd: {  	s20 =	simm.s32 $0x2;
	[sflag:s19] =	ssyncadd.s32 $0xFFFFFC00  }
0xe: {  	_ =	swait.ge [sflag:s20], $0x400  }
0xf: {  	[sflag:s20] =	ssyncset.done $0x0  }
0x10: {  	s21 =	simm.s32 $0x0;
	[sflag:s20] =	ssyncadd.s32 $0xFFFFFC00  }
0x11: {  	v14 =	vld [tilespmem:s21+$0x60]  }
0x12: {  	v7 =	vld [tilespmem:s21+$0x230]  }
0x13: {  	v12 =	vld [tilespmem:s21+$0x50]  }
0x14: {  	v16 =	vld [tilespmem:s21+$0x40]  }
0x15: {  	v10 =	vld [tilespmem:s21+$0x30]  }
0x16: {  	v0 =	vld [tilespmem:s21+$0x10]  }
0x17: {  	v1 =	vld [tilespmem:s21+$0x0]  }
0x18: {  	v5 =	vld [tilespmem:s21+$0x20]  }
0x19: {  	v2 =	vld [tilespmem:s21+$0x200]  }
0x1a: {  	v3 =	vld [tilespmem:s21+$0x210]  }
0x1b: {  	v8 =	vld [tilespmem:s21+$0x220]  }
0x1c: {  	vm0 =	vmmov $0x1;
	v9 =	vld [tilespmem:s21+$0x240];
	v4 =	vmax.f32 v1, v0  }
0x1d: {  	v17 =	vld [tilespmem:s21+$0x70];
	v6 =	vnsel vm0, $0x0, v1;
	v4 =	vmax.f32 v4, v5  }
0x1e: {  	v13 =	vld [tilespmem:s21+$0x250];
	(xrf2) =	vadd.scan.msk.f32 $0xffff, v6;
	v4 =	vmax.f32 v4, v10  }
0x1f: {  	vm1 =	vcmask $0x308;
	v11 =	vld [tilespmem:s21+$0x260];
	v15 =	vmax.f32 v2, v3;
	v4 =	vmax.f32 v4, v16  }
0x20: {  	v18 =	vsel vm1, $0x0, v1;
	v6 =	vld [tilespmem:s21+$0x270];
	v15 =	vmax.f32 v15, v8;
	v4 =	vmax.f32 v4, v12  }
0x21: {  	v15 =	vmax.f32 v15, v7;
	(xrf2) =	vadd.scan.msk.f32 $0xffff, v18;
	v18 =	vnsel vm0, $0x0, v2;
	v4 =	vmax.f32 v4, v14  }
0x22: {  	v19 =	vld [tilespmem:s21+$0x400];
	v15 =	vmax.f32 v15, v9;
	(xrf2) =	vadd.scan.msk.f32 $0xffff, v18;
	v4 =	vmax.f32 v4, v17  }
0x23: {  	v15 =	vmax.f32 v15, v13;
	(xrf0) =	vmax.scan.msk.f32 $0xffff, v4  }
0x24: {  	v21 =	vld [tilespmem:s21+$0x410];
	v15 =	vmax.f32 v15, v11  }
0x25: {  	v4 =	vmax.f32 v15, v6;
	v15 =	vld [tilespmem:s21+$0x600]  }
0x26: {  	v30 =	vimm.f32 $0.0e+00;
	v25 =	vld [tilespmem:s21+$0x420];
	(xrf0) =	vmax.scan.msk.f32 $0xffff, v4  }
0x27: {  	v20 =	vld [tilespmem:s21+$0x610];
	v24 =	vadd.f32 v19, v30  }
0x28: {  	v35 =	vld [tilespmem:s21+$0x430];
	v4, _, _ =	vpop (xrf2)  }
0x29: {  	v27 =	vld [tilespmem:s21+$0x620];
	v23 =	vsel vm1, $0x0, v2;
	v24 =	vadd.f32 v21, v24;
	(v2sf) =	vpush v4, $0xF;
	v18, _, _ =	vpop (xrf0)  }
0x2a: {  	v26 =	vld [tilespmem:s21+$0x440];
	(xrf2) =	vadd.scan.msk.f32 $0xffff, v23;
	v23 =	vadd.f32 v15, v30;
	(v2sf) =	vpush v18, $0xF  }
0x2b: {  	v29 =	vld [tilespmem:s21+$0x630];
	v24 =	vadd.f32 v25, v24;
	v28, _, _ =	vpop (xrf2)  }
0x2c: {  	v33 =	vld [tilespmem:s21+$0x450];
	v22, _, _ =	vpop (xrf0);
	v23 =	vadd.f32 v20, v23  }
0x2d: {  	v39 =	vld [tilespmem:s21+$0x640];
	v24 =	vadd.f32 v35, v24;
	v31, _, _ =	vpop (xrf2);
	(v2sf) =	vpush v22, $0xF  }
0x2e: {  	v34 =	vld [tilespmem:s21+$0x460];
	(v2sf) =	vpush v31, $0xF;
	v23 =	vadd.f32 v27, v23  }
0x2f: {  	v40 =	vld [tilespmem:s21+$0x650];
	v24 =	vadd.f32 v26, v24  }
0x30: {  	v23 =	vadd.f32 v29, v23  }
0x31: {  	v41 =	vld [tilespmem:s21+$0x660];
	v24 =	vadd.f32 v33, v24;
	v18 =	vbroadcast v18, $0xF  }
0x32: {  	v36 =	vld [tilespmem:s21+$0x470];
	v4 =	vbroadcast v4, $0xF;
	v23 =	vadd.f32 v39, v23  }
0x33: {  	v42 =	vld [tilespmem:s21+$0x670];
	v24 =	vadd.f32 v34, v24;
	v28 =	vbroadcast v28, $0xF;
	vm8 =	vlt.f32 v1, v18  }
0x34: {  	vm7 =	vlt.f32 v0, v18;
	vm4 =	vlt.f32 v16, v18;
	v23 =	vadd.f32 v40, v23  }
0x35: {  	vm2 =	vlt.f32 v12, v18;
	vm9 =	vlt.f32 v5, v18;
	vm5 =	vlt.f32 v10, v18  }
0x36: {  	vm3 =	vlt.f32 v14, v18;
	vm6 =	vlt.f32 v17, v18;
	v32, _, _ =	vpop (xrf2);
	v18 =	vadd.f32 v41, v23  }
0x37: {  	v4 =	vsel vm0, v28, v4;
	v31 =	vbroadcast v31, $0xF;
	v32 =	vbroadcast v32, $0xF  }
0x38: {  	v28 =	vadd.f32 v36, v24;
	v24 =	vadd.f32 v42, v18;
	v18 =	vbroadcast v22, $0xF;
	s22 =	spop (v2sf)  }
0x39: {  	v23 =	vsel vm0, v32, v31;
	s5 =	sadd.f32 $2.000000030e-01, s22;
	s23 =	spop (v2sf)  }
0x3a: {  	v4 =	vadd.f32 $2.000000030e-01, v4;
	v22 =	vadd.f32 $4.000000060e-01, v23;
	vm10 =	vlt.f32 v8, v18;
	s6 =	sadd.f32 $2.000000030e-01, s23  }
0x3b: {  	vm11 =	vlt.f32 v11, v18;
	vm12 =	vlt.f32 v3, v18;
	v31 =	vmov s5  }
0x3c: {  	vm13 =	vlt.f32 v7, v18;
	s24 =	spop (v2sf);
	v4 =	vsel vm8, s6, v4;
	v23 =	vsel vm7, s6, v31  }
0x3d: {  	s25 =	sadd.f32 $4.000000060e-01, s24;
	s26 =	spop (v2sf);
	vm7 =	vlt.f32 v2, v18;
	v43 =	vsel vm9, s6, v31;
	vm8 =	vlt.f32 v9, v18  }
0x3e: {  	s28 =	simm.s32 $0x80;
	vm9 =	vlt.f32 v13, v18;
	s8 =	sadd.f32 $4.000000060e-01, s26;
	v48 =	vsel vm6, s6, v31;
	v1 =	vsub.f32 v4, v1  }
0x3f: {  	v57 =	vsel vm4, s6, v31;
	v4 =	vsel vm7, s25, v22;
	v22 =	vsub.f32 v23, v0;
	v0 =	vld [tilespmem:s28+$0x60]  }
0x40: {  	v23 =	vmov s8;
	v32 =	vmax.f32 v1, $0.0e+00;
	v1 =	vsub.f32 v4, v2;
	v4 =	vld [tilespmem:s28+$0x230]  }
0x41: {  	v58 =	vsel vm2, s6, v31;
	vm7 =	vlt.f32 v6, v18;
	v18 =	vsel vm12, s25, v23;
	v2 =	vld [tilespmem:s28+$0x40]  }
0x42: {  	v5 =	vsub.f32 v43, v5;
	v37 =	vsel vm13, s25, v23;
	v18 =	vsub.f32 v18, v3;
	v3 =	vld [tilespmem:s28+$0x30]  }
0x43: {  	v38 =	vsel vm11, s25, v23;
	v37 =	vsub.f32 v37, v7;
	v7 =	vld [tilespmem:s28+$0x20];
	v1 =	vmax.f32 v1, $0.0e+00  }
0x44: {  	v16 =	vsub.f32 v57, v16;
	v11 =	vsub.f32 v38, v11;
	v38 =	vld [tilespmem:s28+$0x0];
	v15 =	vmul.f32 v15, v1  }
0x45: {  	v44 =	vsel vm8, s25, v23;
	v45 =	vsel vm10, s25, v23;
	v1 =	vld [tilespmem:s28+$0x50];
	v18 =	vmax.f32 v18, $0.0e+00  }
0x46: {  	v46 =	vsel vm9, s25, v23;
	v20 =	vmul.f32 v18, v20;
	v18 =	vld [tilespmem:s28+$0x10];
	v15 =	vadd.f32 v15, v30  }
0x47: {  	v13 =	vsub.f32 v46, v13;
	v9 =	vsub.f32 v44, v9;
	v61 =	vmax.f32 v37, $0.0e+00;
	v37 =	vld [tilespmem:s28+$0x200]  }
0x48: {  	v43 =	vmax.f32 v22, $0.0e+00;
	v8 =	vsub.f32 v45, v8;
	v63 =	vadd.f32 v20, v15;
	v15 =	vld [tilespmem:s28+$0x210]  }
0x49: {  	v62 =	vmax.f32 v13, $0.0e+00;
	v47 =	vmax.f32 v9, $0.0e+00;
	v13 =	vsel vm7, s25, v23;
	v9 =	vld [tilespmem:s28+$0x220]  }
0x4a: {  	v44 =	vmax.f32 v5, $0.0e+00;
	v11 =	vmax.f32 v11, $0.0e+00;
	v23 =	vsub.f32 v13, v6;
	v13 =	vld [tilespmem:s28+$0x250]  }
0x4b: {  	v41 =	vmul.f32 v11, v41;
	v20 =	vmax.f32 v8, $0.0e+00;
	v8 =	vld [tilespmem:s28+$0x240];
	v5 =	vmax.f32 v38, v18  }
0x4c: {  	v6 =	vnsel vm0, $0x0, v38;
	v27 =	vmul.f32 v20, v27;
	v11 =	vmax.f32 v5, v7;
	v5 =	vld [tilespmem:s28+$0x70]  }
0x4d: {  	v22 =	vmul.f32 v61, v29;
	(xrf2) =	vadd.scan.msk.f32 $0xffff, v6;
	v20 =	vld [tilespmem:s28+$0x260];
	v11 =	vmax.f32 v11, v3;
	v52 =	vmax.f32 v37, v15  }
0x4e: {  	v6 =	vld [tilespmem:s28+$0x270];
	v27 =	vadd.f32 v27, v63;
	v11 =	vmax.f32 v11, v2;
	v53 =	vmax.f32 v52, v9  }
0x4f: {  	v54 =	vsel vm1, $0x0, v38;
	v11 =	vmax.f32 v11, v1;
	v46 =	vmax.f32 v53, v4  }
0x50: {  	v22 =	vadd.f32 v22, v27;
	v11 =	vmax.f32 v11, v0;
	v27 =	vmax.f32 v46, v8  }
0x51: {  	v29 =	vsel vm5, s6, v31;
	(xrf2) =	vadd.scan.msk.f32 $0xffff, v54;
	v11 =	vmax.f32 v11, v5;
	v27 =	vmax.f32 v27, v13  }
0x52: {  	v56 =	vsub.f32 v29, v10;
	v10 =	vld [tilespmem:s28+$0x400];
	v55 =	vnsel vm0, $0x0, v37;
	(xrf0) =	vmax.scan.msk.f32 $0xffff, v11;
	v27 =	vmax.f32 v27, v20  }
0x53: {  	v17 =	vsub.f32 v48, v17;
	(xrf2) =	vadd.scan.msk.f32 $0xffff, v55;
	v11 =	vmax.f32 v23, $0.0e+00;
	v23 =	vmax.f32 v27, v6  }
0x54: {  	v60 =	vmax.f32 v16, $0.0e+00;
	v43 =	vmul.f32 v43, v21;
	v39 =	vmul.f32 v47, v39;
	(xrf0) =	vmax.scan.msk.f32 $0xffff, v23  }
0x55: {  	v25 =	vmul.f32 v44, v25;
	v40 =	vmul.f32 v62, v40;
	v27 =	vsel vm1, $0x0, v37  }
0x56: {  	v31 =	vsel vm3, s6, v31;
	v62 =	vmax.f32 v17, $0.0e+00;
	v29 =	vld [tilespmem:s28+$0x600];
	v22 =	vadd.f32 v39, v22  }
0x57: {  	v14 =	vsub.f32 v31, v14;
	v16 =	vadd.f32 v10, v28;
	v53 =	vmul.f32 v19, v32;
	v59, _, _ =	vpop (xrf2)  }
0x58: {  	v22 =	vadd.f32 v40, v22;
	v42 =	vmul.f32 v11, v42;
	v11 =	vld [tilespmem:s28+$0x410];
	(v2sf) =	vpush v59, $0xF;
	(xrf2) =	vadd.scan.msk.f32 $0xffff, v27;
	v27, _, _ =	vpop (xrf0)  }
0x59: {  	v61 =	vmax.f32 v14, $0.0e+00;
	v40 =	vsub.f32 v58, v12;
	v23 =	vld [tilespmem:s28+$0x610];
	(v2sf) =	vpush v27, $0xF  }
0x5a: {  	v39 =	vmax.f32 v56, $0.0e+00;
	v12 =	vld [tilespmem:s28+$0x420];
	v30 =	vadd.f32 v53, v30;
	v22 =	vadd.f32 v41, v22;
	v46, _, _ =	vpop (xrf0)  }
0x5b: {  	v24 =	vadd.f32 v29, v24;
	v35 =	vmul.f32 v39, v35;
	(v2sf) =	vpush v46, $0xF  }
0x5c: {  	v39 =	vmul.f32 v62, v36;
	v43 =	vadd.f32 v43, v30;
	v31 =	vadd.f32 v42, v22;
	v22 =	vld [tilespmem:s28+$0x620]  }
0x5d: {  	v14 =	vld [tilespmem:s28+$0x430];
	v40 =	vmax.f32 v40, $0.0e+00;
	v17, _, _ =	vpop (xrf2);
	v41 =	vbroadcast v59, $0xF;
	v16 =	vadd.f32 v11, v16  }
0x5e: {  	v28 =	vld [tilespmem:s28+$0x630];
	v51, _, _ =	vpop (xrf2);
	v43 =	vadd.f32 v25, v43;
	v63 =	vbroadcast v27, $0xF;
	v27 =	vadd.f32 v23, v24  }
0x5f: {  	v50 =	vbroadcast v17, $0xF;
	v49 =	vadd.f32 v12, v16;
	v16 =	vld [tilespmem:s28+$0x440];
	(v2sf) =	vpush v51, $0xF  }
0x60: {  	v59 =	vmul.f32 v60, v26;
	v33 =	vmul.f32 v40, v33;
	v24 =	vld [tilespmem:s28+$0x640]  }
0x61: {  	v17 =	vld [tilespmem:s28+$0x450];
	v41 =	vsel vm0, v50, v41;
	v35 =	vadd.f32 v35, v43;
	v52 =	vadd.f32 v22, v27  }
0x62: {  	v60 =	vadd.f32 $2.000000030e-01, v41;
	v43 =	vmul.f32 v61, v34;
	v49 =	vadd.f32 v14, v49;
	v27 =	vld [tilespmem:s28+$0x650]  }
0x63: {  	v19 =	vld [tilespmem:s28+$0x460];
	v35 =	vadd.f32 v59, v35;
	vm7 =	vlt.f32 v38, v63;
	v52 =	vadd.f32 v28, v52  }
0x64: {  	v32 =	vld [tilespmem:s28+$0x660];
	vm8 =	vlt.f32 v18, v63;
	vm4 =	vlt.f32 v2, v63;
	v49 =	vadd.f32 v16, v49  }
0x65: {  	v21 =	vld [tilespmem:s28+$0x470];
	vm2 =	vlt.f32 v1, v63;
	vm9 =	vlt.f32 v7, v63;
	v52 =	vadd.f32 v24, v52  }
0x66: {  	v30 =	vld [tilespmem:s28+$0x670];
	vm5 =	vlt.f32 v3, v63;
	vm3 =	vlt.f32 v0, v63;
	v56, _, _ =	vpop (xrf2);
	v49 =	vadd.f32 v17, v49  }
0x67: {  	v51 =	vbroadcast v51, $0xF;
	v53 =	vbroadcast v56, $0xF;
	v58 =	vadd.f32 v27, v52;
	s29 =	spop (v2sf)  }
0x68: {  	vm6 =	vlt.f32 v5, v63;
	v42 =	vbroadcast v46, $0xF;
	v49 =	vadd.f32 v19, v49;
	s5 =	sadd.f32 $2.000000030e-01, s29;
	s30 =	spop (v2sf)  }
0x69: {  	v44 =	vadd.f32 v33, v35;
	v57 =	vsel vm0, v53, v51;
	v48 =	vadd.f32 v32, v58;
	s6 =	sadd.f32 $2.000000030e-01, s30  }
0x6a: {  	v61 =	vadd.f32 $4.000000060e-01, v57;
	v25 =	vadd.f32 v21, v49;
	v34 =	vmov s5;
	s31 =	spop (v2sf)  }
0x6b: {  	v26 =	vadd.f32 v30, v48;
	v41 =	vsel vm7, s6, v60;
	v40 =	vsel vm8, s6, v34;
	s8 =	sadd.f32 $4.000000060e-01, s31  }
0x6c: {  	vm7 =	vlt.f32 v37, v42;
	vm8 =	vlt.f32 v8, v42;
	v62 =	vsub.f32 v41, v38  }
0x6d: {  	v41 =	vsel vm9, s6, v34;
	vm9 =	vlt.f32 v9, v42;
	v63 =	vsel vm7, s8, v61  }
0x6e: {  	s9 =	simm.s32 $0x400;
	s10 =	spop (v2sf);
	vm7 =	vlt.f32 v13, v42;
	v33 =	vmax.f32 v62, $0.0e+00;
	v35 =	vsub.f32 v63, v37  }
.LBB2_1:
0x6f: {  	s5 =	smov.u32 s9  }
0x70: {  	s7 =	sshra.s32 s9, $0x2;
	s10 =	sadd.f32 $4.000000060e-01, s10;
	vm11 =	vlt.f32 v20, v42;
	vm10 =	vlt.f32 v6, v42;
	v38 =	vsub.f32 v40, v18;
	s5 =	sadd.s32 $0x200, s9  }
0x71: {  	p0 =	sne.s32 s9, $0x600;
	vm12 =	vlt.f32 v4, v42;
	v18 =	vmax.f32 v35, $0.0e+00;
	v35 =	vadd.f32 v43, v44;
	v40 =	vld [tilespmem:s7+$0x60]  }
0x72: {  	vm13 =	vlt.f32 v15, v42;
	v18 =	vmul.f32 v29, v18;
	v29 =	vmov s10;
	v36 =	vld [tilespmem:s7+$0x230]  }
0x73: {  	v37 =	vsel vm13, s8, v29;
	v43 =	vsel vm12, s8, v29;
	v44 =	vsel vm11, s8, v29;
	v42 =	vld [tilespmem:s7+$0x50]  }
0x74: {  	v46 =	vsel vm8, s8, v29;
	v15 =	vsub.f32 v37, v15;
	v20 =	vsub.f32 v44, v20;
	v45 =	vld [tilespmem:s7+$0x40]  }
0x75: {  	v47 =	vsel vm9, s8, v29;
	v48 =	vsel vm7, s8, v29;
	v37 =	vadd.f32 v39, v35;
	v44 =	vld [tilespmem:s7+$0x30]  }
0x76: {  	v35 =	vsub.f32 v43, v4;
	v13 =	vsub.f32 v48, v13;
	v15 =	vmax.f32 v15, $0.0e+00;
	v39 =	vld [tilespmem:s7+$0x220]  }
0x77: {  	v31 =	vadd.f32 v18, v31;
	v15 =	vmul.f32 v15, v23;
	v23 =	vsub.f32 v46, v8;
	v8 =	vld [tilespmem:s7+$0x240];
	v4 =	vmovc v36  }
0x78: {  	v49 =	vsub.f32 v47, v9;
	v47 =	vmax.f32 v13, $0.0e+00;
	v46 =	vmax.f32 v35, $0.0e+00;
	v43 =	vld [tilespmem:s7+$0x20]  }
0x79: {  	v48 =	vsel vm6, s6, v34;
	v31 =	vadd.f32 v15, v31;
	v23 =	vmax.f32 v23, $0.0e+00;
	v18 =	vld [tilespmem:s7+$0x10]  }
0x7a: {  	v7 =	vsub.f32 v41, v7;
	v38 =	vmax.f32 v38, $0.0e+00;
	v13 =	vsel vm10, s8, v29;
	v36 =	vld [tilespmem:s7+$0x0]  }
0x7b: {  	v29 =	vmax.f32 v49, $0.0e+00;
	v20 =	vmax.f32 v20, $0.0e+00;
	v28 =	vmul.f32 v46, v28;
	v35 =	vld [tilespmem:s7+$0x200];
	v9 =	vmovc v39  }
0x7c: {  	v41 =	vsel vm5, s6, v34;
	v6 =	vsub.f32 v13, v6;
	v39 =	vmax.f32 v7, $0.0e+00;
	v15 =	vld [tilespmem:s7+$0x210]  }
0x7d: {  	v22 =	vmul.f32 v29, v22;
	v32 =	vmul.f32 v20, v32;
	v29 =	vsub.f32 v41, v3;
	v3 =	vmovc v44;
	v13 =	vld [tilespmem:s7+$0x250]  }
0x7e: {  	v23 =	vmul.f32 v23, v24;
	v24 =	vmul.f32 v47, v27;
	v27 =	vmax.f32 v6, $0.0e+00;
	v7 =	vmovc v43;
	v20 =	vld [tilespmem:s7+$0x260]  }
0x7f: {  	v41 =	vmax.f32 v36, v18;
	v43 =	vnsel vm0, $0x0, v36;
	v44 =	vsel vm1, $0x0, v36;
	v6 =	vld [tilespmem:s7+$0x270]  }
0x80: {  	v22 =	vadd.f32 v22, v31;
	v41 =	vmax.f32 v41, v7;
	v46 =	vld [tilespmem:s7+$0x70];
	v47 =	vnsel vm0, $0x0, v35;
	(xrf2) =	vadd.scan.msk.f32 $0xffff, v43  }
0x81: {  	v43 =	vsel vm1, $0x0, v35;
	v31 =	vmax.f32 v41, v3;
	v41 =	vmax.f32 v35, v15  }
0x82: {  	v22 =	vadd.f32 v28, v22;
	v31 =	vmax.f32 v31, v45;
	v41 =	vmax.f32 v41, v9  }
0x83: {  	v27 =	vmul.f32 v27, v30;
	v28 =	vmax.f32 v31, v42;
	v31 =	vmax.f32 v41, v4;
	(xrf2) =	vadd.scan.msk.f32 $0xffff, v44  }
0x84: {  	v22 =	vadd.f32 v23, v22;
	v28 =	vmax.f32 v28, v40;
	v30 =	vmax.f32 v31, v8  }
0x85: {  	v44 =	vmax.f32 v29, $0.0e+00;
	v23 =	vmax.f32 v28, v46;
	v41 =	vld [tilespmem:s7+$0x400];
	v28 =	vmax.f32 v30, v13  }
0x86: {  	v22 =	vadd.f32 v24, v22;
	v28 =	vmax.f32 v28, v20;
	v29 =	vld [tilespmem:s7+$0x600];
	(xrf0) =	vmax.scan.msk.f32 $0xffff, v23;
	v23 =	vsel vm4, s6, v34  }
0x87: {  	v31 =	vsel vm2, s6, v34;
	v30 =	vld [tilespmem:s7+$0x410];
	v24 =	vmax.f32 v28, v6;
	(xrf2) =	vadd.scan.msk.f32 $0xffff, v47;
	v28 =	vsub.f32 v23, v2;
	v2 =	vmovc v45  }
0x88: {  	v22 =	vadd.f32 v32, v22;
	v23 =	vld [tilespmem:s7+$0x610];
	(xrf0) =	vmax.scan.msk.f32 $0xffff, v24;
	v24 =	vsub.f32 v31, v1;
	v31 =	vsel vm3, s6, v34;
	v1 =	vmovc v42  }
0x89: {  	v32 =	vsub.f32 v48, v5;
	v5 =	vmovc v46;
	v34 =	vld [tilespmem:s7+$0x420];
	v42 =	vmax.f32 v28, $0.0e+00;
	v28 =	vsub.f32 v31, v0;
	v0 =	vmovc v40  }
0x8a: {  	v31 =	vadd.f32 v27, v22;
	v25 =	vadd.f32 v41, v25;
	v40, _, _ =	vpop (xrf2);
	v45 =	vmax.f32 v24, $0.0e+00  }
0x8b: {  	v46 =	vmax.f32 v32, $0.0e+00;
	(v2sf) =	vpush v40, $0xF;
	(xrf2) =	vadd.scan.msk.f32 $0xffff, v43;
	v43 =	vmax.f32 v28, $0.0e+00  }
0x8c: {  	v24 =	vadd.f32 v29, v26;
	v22 =	vld [tilespmem:s7+$0x620];
	v25 =	vadd.f32 v30, v25;
	v26, _, _ =	vpop (xrf0)  }
0x8d: {  	v27 =	vbroadcast v26, $0xF;
	v47 =	vld [tilespmem:s7+$0x430];
	(v2sf) =	vpush v26, $0xF;
	v26, _, _ =	vpop (xrf2)  }
0x8e: {  	v32 =	vadd.f32 v23, v24;
	v28 =	vld [tilespmem:s7+$0x630];
	v25 =	vadd.f32 v34, v25;
	v48, _, _ =	vpop (xrf0)  }
0x8f: {  	v26 =	vbroadcast v26, $0xF;
	vm7 =	vlt.f32 v36, v27;
	v49 =	vld [tilespmem:s7+$0x440];
	(v2sf) =	vpush v48, $0xF  }
0x90: {  	vm8 =	vlt.f32 v18, v27;
	vm4 =	vlt.f32 v2, v27;
	vm2 =	vlt.f32 v1, v27;
	v24 =	vld [tilespmem:s7+$0x640]  }
0x91: {  	vm9 =	vlt.f32 v7, v27;
	vm5 =	vlt.f32 v3, v27;
	vm3 =	vlt.f32 v0, v27;
	v50 =	vld [tilespmem:s7+$0x450];
	v51, _, _ =	vpop (xrf2)  }
0x92: {  	vm6 =	vlt.f32 v5, v27;
	v32 =	vadd.f32 v22, v32;
	v25 =	vadd.f32 v47, v25  }
0x93: {  	v33 =	vmul.f32 v10, v33;
	v10 =	vmov v41;
	v27 =	vld [tilespmem:s7+$0x650];
	(v2sf) =	vpush v51, $0xF  }
0x94: {  	v51 =	vbroadcast v51, $0xF;
	v52 =	vadd.f32 v28, v32;
	v41 =	vld [tilespmem:s7+$0x460];
	v25 =	vadd.f32 v49, v25  }
0x95: {  	v33 =	vadd.f32 v33, v37;
	v37 =	vmul.f32 v38, v11;
	v11 =	vmov v30;
	v32 =	vld [tilespmem:s7+$0x660];
	v53, _, _ =	vpop (xrf2)  }
0x96: {  	v52 =	vadd.f32 v24, v52;
	v38 =	vld [tilespmem:s7+$0x470];
	v53 =	vbroadcast v53, $0xF;
	v25 =	vadd.f32 v50, v25  }
0x97: {  	v33 =	vadd.f32 v37, v33;
	v37 =	vmul.f32 v39, v12;
	v12 =	vmov v34;
	v30 =	vld [tilespmem:s7+$0x670]  }
0x98: {  	v44 =	vmul.f32 v44, v14;
	v14 =	vmovc v47;
	v51 =	vsel vm0, v53, v51;
	v34 =	vadd.f32 v27, v52  }
0x99: {  	v33 =	vadd.f32 v37, v33;
	v25 =	vadd.f32 v41, v25  }
0x9a: {  	v39 =	vmul.f32 v46, v21;
	v37 =	vbroadcast v40, $0xF;
	v34 =	vadd.f32 v32, v34;
	s6 =	spop (v2sf)  }
0x9b: {  	v40 =	vadd.f32 v44, v33;
	v33 =	vmul.f32 v42, v16;
	v16 =	vmovc v49;
	v25 =	vadd.f32 v38, v25  }
0x9c: {  	v44 =	vmul.f32 v45, v17;
	v37 =	vsel vm0, v26, v37;
	v17 =	vmovc v50;
	s7 =	sadd.f32 $2.000000030e-01, s6;
	v26 =	vadd.f32 v30, v34;
	s6 =	spop (v2sf)  }
0x9d: {  	v43 =	vmul.f32 v43, v19;
	v33 =	vadd.f32 v33, v40;
	v37 =	vadd.f32 $2.000000030e-01, v37;
	v19 =	vmovc v41;
	v21 =	vmovc v38;
	s6 =	sadd.f32 $2.000000030e-01, s6  }
.Ltmp0:
0x9e: {  	v42 =	vbroadcast v48, $0xF;
	v38 =	vadd.f32 $4.000000060e-01, v51;
	v34 =	vmov s7;
	s7 =	spop (v2sf);
	(pc) =	sbr.rel @p0 .LBB2_1-.Ltmp0, $4  }
0x9f: {  	v44 =	vadd.f32 v44, v33;
	v37 =	vsel vm7, s6, v37;
	s8 =	sadd.f32 $4.000000060e-01, s7;
	v40 =	vsel vm8, s6, v34  }
0xa0: {  	vm7 =	vlt.f32 v35, v42;
	v41 =	vsel vm9, s6, v34;
	v33 =	vsub.f32 v37, v36  }
0xa1: {  	vm8 =	vlt.f32 v8, v42;
	v36 =	vsel vm7, s8, v38;
	vm7 =	vlt.f32 v13, v42  }
0xa2: {  	s9 =	smov.u32 s5;
	vm9 =	vlt.f32 v9, v42;
	v33 =	vmax.f32 v33, $0.0e+00;
	v35 =	vsub.f32 v36, v35;
	s10 =	spop (v2sf)  }
0xa3: {  	vm10 =	vlt.f32 v20, v42  }
0xa4: {  	v18 =	vsub.f32 v40, v18;
	vm11 =	vlt.f32 v4, v42;
	v36 =	vadd.f32 v43, v44  }
0xa5: {  	vm12 =	vlt.f32 v15, v42;
	vm15 =	vlt.f32 v6, v42;
	v45 =	vsel vm6, s6, v34  }
0xa6: {  	v10 =	vmul.f32 v10, v33;
	v7 =	vsub.f32 v41, v7;
	v47 =	vsel vm5, s6, v34  }
0xa7: {  	v48 =	vsel vm4, s6, v34;
	v49 =	vsel vm2, s6, v34;
	v3 =	vsub.f32 v47, v3  }
0xa8: {  	s5 =	sadd.f32 $4.000000060e-01, s10;
	v50 =	vsel vm3, s6, v34;
	v2 =	vsub.f32 v48, v2;
	v1 =	vsub.f32 v49, v1  }
0xa9: {  	v35 =	vmax.f32 v35, $0.0e+00;
	v0 =	vsub.f32 v50, v0;
	v53 =	vsub.f32 v45, v5  }
0xaa: {  	v37 =	vmov s5;
	v29 =	vmul.f32 v29, v35;
	v36 =	vadd.f32 v39, v36  }
0xab: {  	v18 =	vmax.f32 v18, $0.0e+00;
	v7 =	vmax.f32 v7, $0.0e+00;
	v58 =	vsel vm12, s8, v37  }
0xac: {  	v38 =	vsel vm11, s8, v37;
	v59 =	vsel vm10, s8, v37;
	v61 =	vsel vm8, s8, v37  }
0xad: {  	v63 =	vsel vm9, s8, v37;
	v43 =	vsel vm7, s8, v37;
	v46 =	vsel vm15, s8, v37  }
0xae: {  	v11 =	vmul.f32 v18, v11;
	v7 =	vmul.f32 v7, v12;
	v3 =	vmax.f32 v3, $0.0e+00  }
0xaf: {  	v2 =	vmax.f32 v2, $0.0e+00;
	v60 =	vsub.f32 v58, v15;
	v10 =	vadd.f32 v10, v36  }
0xb0: {  	v1 =	vmax.f32 v1, $0.0e+00;
	v0 =	vmax.f32 v0, $0.0e+00;
	v62 =	vsub.f32 v59, v20  }
0xb1: {  	v9 =	vsub.f32 v63, v9;
	v15 =	vmax.f32 v60, $0.0e+00;
	v10 =	vadd.f32 v11, v10  }
0xb2: {  	v44 =	vsub.f32 v38, v4;
	v29 =	vadd.f32 v29, v31;
	v15 =	vmul.f32 v15, v23  }
0xb3: {  	v3 =	vmul.f32 v3, v14;
	v9 =	vmax.f32 v9, $0.0e+00;
	v7 =	vadd.f32 v7, v10  }
0xb4: {  	v8 =	vsub.f32 v61, v8;
	v9 =	vmul.f32 v9, v22;
	v15 =	vadd.f32 v15, v29  }
0xb5: {  	v2 =	vmul.f32 v2, v16;
	v4 =	vmax.f32 v44, $0.0e+00;
	v3 =	vadd.f32 v3, v7  }
0xb6: {  	v13 =	vsub.f32 v43, v13;
	v4 =	vmul.f32 v4, v28;
	v51 =	vadd.f32 v9, v15  }
0xb7: {  	v1 =	vmul.f32 v1, v17;
	v8 =	vmax.f32 v8, $0.0e+00;
	v2 =	vadd.f32 v2, v3  }
0xb8: {  	v0 =	vmul.f32 v0, v19;
	v8 =	vmul.f32 v8, v24;
	v52 =	vadd.f32 v4, v51  }
0xb9: {  	v56 =	vsub.f32 v46, v6;
	v13 =	vmax.f32 v13, $0.0e+00;
	v1 =	vadd.f32 v1, v2  }
0xba: {  	v55 =	vmul.f32 v13, v27;
	v4 =	vmax.f32 v53, $0.0e+00;
	v3 =	vadd.f32 v8, v52  }
0xbb: {  	v54 =	vmax.f32 v62, $0.0e+00;
	v4 =	vmul.f32 v4, v21;
	v0 =	vadd.f32 v0, v1  }
0xbc: {  	v57 =	vmul.f32 v54, v32;
	v2 =	vadd.f32 v55, v3  }
0xbd: {  	v58 =	vmax.f32 v56, $0.0e+00;
	v0 =	vadd.f32 v4, v0  }
0xbe: {  	v3 =	vmul.f32 v58, v30;
	v1 =	vadd.f32 v57, v2  }
0xbf: {  	(xrf2) =	vadd.scan.msk.f32 $0xffff, v0  }
0xc0: {  	v59 =	vadd.f32 v3, v1;
	(xrf2) =	vadd.scan.msk.f32 $0xffff, v25;
	_ =	sdelay $0x1  }
0xc1: {  	(xrf2) =	vadd.scan.msk.f32 $0xffff, v59;
	_ =	sdelay $0x1  }
0xc2: {  	(xrf2) =	vadd.scan.msk.f32 $0xffff, v26;
	_ =	sdelay $0x4  }
0xc3: {  	v60, _, _ =	vpop (xrf2)  }
0xc4: {  	v61, _, _ =	vpop (xrf2)  }
0xc5: {  	v0 =	vbroadcast v60, $0xF;
	v1 =	vbroadcast v61, $0xF  }
0xc6: {  	vm2 =	vcmask $0x704;
	v62, _, _ =	vpop (xrf2)  }
0xc7: {  	v0 =	vnsel vm0, $0x0, v0;
	v1 =	vnsel vm2, $0x0, v1;
	v2 =	vbroadcast v62, $0xF  }
0xc8: {  	vm3 =	vcmask $0xB08;
	v63, _, _ =	vpop (xrf2);
	v0 =	vadd.f32 v1, v0  }
0xc9: {  	v1 =	vbroadcast v63, $0xF;
	v2 =	vnsel vm3, $0x0, v2  }
0xca: {  	vm3 =	vcmask $0xF0C;
	v0 =	vadd.f32 v2, v0  }
0xcb: {  	v1 =	vnsel vm3, $0x0, v1  }
0xcc: {  	s4 =	sshrl.u32 s4, $0x2;
	v0 =	vadd.f32 v1, v0  }
0xcd: {  	s4 =	sadd.s32 s4, s2  }
0xce: {  	s31 =	simm.s32 $0x800;
	s4 =	sadd.s32 $0x1000, s4;
	[tilespmem:$0x800] =	vst v0  }
0xcf: {  	[spmem:s4] =	stream.linear.scatter [tilespmem:s31], [sflag:$0x3], $0x80, $0x38;
	[tilespmem:$0x1130] =	vst v63  }
0xd0: {  	s4 =	simm.s32 $0x3  }
0xd1: {  	_ =	swait.ge [sflag:s4], $0x80  }
0xd2: {  	[sflag:s4] =	ssyncset.done $0x0  }
0xd3: {  	[sflag:s4] =	ssyncadd.s32 $0xFFFFFF80  }
0xd4: {  	p0 =	sne.s32 s3, $0x0;
	[bflag:$0x0] =	sbarrier.arrive $0xFFFF  }
0xd5: {  	_ =	sfence.sel @p0 $0x180000  }
0xd6: {  	[bflag:$0x0] =	sbarrier.arrive @p0 $0xFFFF  }
0xd7: {  	_ =	strace @p0 $0x90000047  }
0xd8: {  	[bflag:$0x2] =	sbarrier.arrive @p0 $0xFFFF  }
0xd9: {  	_ =	shalt @p0  }
.LBB2_3:
0xda: {  	s2 =	sadd.s32 $0x1000, s2;
	s3 =	simm.s32 $0x900  }
0xdb: {  	[tilespmem:s3], [sflag:$0x3] =	stream.linear.gather [spmem:s2], $0x800, $0x38;
	[tilespmem:$0x1130] =	vst v63  }
0xdc: {  	_ =	swait.ge [sflag:s4], $0x800  }
0xdd: {  	[sflag:s4] =	ssyncset.done $0x0  }
0xde: {  	[sflag:s4] =	ssyncadd.s32 $0xFFFFF800  }
0xdf: {  	v0 =	vld [tilespmem:$0x900]  }
0xe0: {  	v1 =	vld [tilespmem:$0x980];
	_ =	sdelay $0x1  }
0xe1: {  	v2 =	vld [tilespmem:$0xA00];
	_ =	sdelay $0x1  }
0xe2: {  	v3 =	vld [tilespmem:$0xA80]  }
0xe3: {  	v0 =	vadd.f32 v1, v0  }
0xe4: {  	v41 =	vld [tilespmem:$0xB00]  }
0xe5: {  	v0 =	vadd.f32 v2, v0  }
0xe6: {  	v42 =	vld [tilespmem:$0xB80]  }
0xe7: {  	v0 =	vadd.f32 v3, v0  }
0xe8: {  	v43 =	vld [tilespmem:$0xC00]  }
0xe9: {  	v0 =	vadd.f32 v41, v0  }
0xea: {  	v44 =	vld [tilespmem:$0xC80]  }
0xeb: {  	v0 =	vadd.f32 v42, v0  }
0xec: {  	v45 =	vld [tilespmem:$0xD00]  }
0xed: {  	v0 =	vadd.f32 v43, v0  }
0xee: {  	v46 =	vld [tilespmem:$0xD80]  }
0xef: {  	v0 =	vadd.f32 v44, v0  }
0xf0: {  	v47 =	vld [tilespmem:$0xE00]  }
0xf1: {  	v0 =	vadd.f32 v45, v0  }
0xf2: {  	v48 =	vld [tilespmem:$0xE80]  }
0xf3: {  	v0 =	vadd.f32 v46, v0  }
0xf4: {  	v49 =	vld [tilespmem:$0xF00]  }
0xf5: {  	v0 =	vadd.f32 v47, v0  }
0xf6: {  	v50 =	vld [tilespmem:$0xF80]  }
0xf7: {  	v0 =	vadd.f32 v48, v0  }
0xf8: {  	v51 =	vld [tilespmem:$0x1000]  }
0xf9: {  	v0 =	vadd.f32 v49, v0  }
0xfa: {  	v52 =	vld [tilespmem:$0x1080]  }
0xfb: {  	v0 =	vadd.f32 v50, v0;
	_ =	sdelay $0x1  }
0xfc: {  	v0 =	vadd.f32 v51, v0;
	_ =	sdelay $0x1  }
0xfd: {  	v0 =	vadd.f32 v52, v0;
	_ =	sdelay $0x1  }
0xfe: {  	v53 =	vnsel vm0, $0x0, v0  }
0xff: {  	vm11 =	vcmask $0x70C;
	v54 =	vsel vm1, $0x0, v0;
	(xrf2) =	vadd.scan.msk.f32 $0xffff, v53  }
0x100: {  	vm12 =	vcmask $0xB10;
	v55 =	vsel vm11, $0x0, v0;
	(xrf2) =	vadd.scan.msk.f32 $0xffff, v54  }
0x101: {  	v0 =	vsel vm12, $0x0, v0;
	(xrf2) =	vadd.scan.msk.f32 $0xffff, v55  }
0x102: {  	(xrf2) =	vadd.scan.msk.f32 $0xffff, v0;
	_ =	sdelay $0x6  }
0x103: {  	v56, _, _ =	vpop (xrf2)  }
0x104: {  	v57, _, _ =	vpop (xrf2)  }
0x105: {  	v58, _, _ =	vpop (xrf2)  }
0x106: {  	v59, _, _ =	vpop (xrf2)  }
0x107: {  	v3 =	vbroadcast v59, $0xF  }
0x108: {  	v1 =	vbroadcast v57, $0xF  }
0x109: {  	v4 =	vmax.f32 v3, $1.000000000e+00  }
0x10a: {  	v1 =	vsel vm0, v1, v4  }
0x10b: {  	(erf) = vrcp.f32 v1;
	_ =	sdelay $0x4  }
0x10c: {  	v0 =	vbroadcast v56, $0xF;
	v60 =	vbroadcast v58, $0xF;
	_ =	sdelay $0x1  }
0x10d: {  	v0 =	vnsel vm0, $0x0, v0;
	v1 =	vnsel vm2, $0x0, v60  }
0x10e: {  	v62 =	vimm.f32 $0.0e+00;
	vm13 =	vcmask $0x300;
	v0 =	vadd.f32 v1, v0  }
0x10f: {  	vm14 =	vcmask $0x700;
	v63 =	vsel vm13, $0x3F800000, v62;
	v61 =	vpop (erf)  }
0x110: {  	vm15 =	vge.f32 v3, $3.000000000e+00;
	v1 =	vsel vm14, $0x3F800000, v62;
	v0 =	vmul.f32 v61, v0  }
0x111: {  	v1 =	vsel vm15, v1, v63  }
0x112: {  	v0 =	vmul.f32 v0, v1;
	_ =	sdelay $0x1  }
0x113: {  	(xrf2) =	vadd.scan.msk.f32 $0xffff, v0;
	_ =	sdelay $0x9  }
0x114: {  	v0, _, _ =	vpop (xrf2)  }
0x115: {  	v0 =	vbroadcast v0, $0xF;
	_ =	sdelay $0x1  }
0x116: {  	v0 =	vnsel vm0, $0x0, v0  }
0x117: {  	s30 =	simm.s32 $0x0;
	s31 =	simm.s32 $0x880;
	[tilespmem:$0x880] =	vst v0  }
0x118: {  	[hbm4b:s1+s30] =	stream.linear.scatter [tilespmem:s31], [sflag:$0x3], $0x80, $0x38;
	[tilespmem:$0x1130] =	vst v63  }
0x119: {  	_ =	swait.ge [sflag:s4], $0x80  }
0x11a: {  	[sflag:s4] =	ssyncset.done $0x0  }
0x11b: {  	[sflag:s4] =	ssyncadd.s32 $0xFFFFFF80  }
0x11c: {  	_ =	sfence.sel $0x180000  }
0x11d: {  	[bflag:$0x0] =	sbarrier.arrive $0xFFFF  }
0x11e: {  	_ =	strace $0x90000047  }
0x11f: {  	s0 =	sadd.s32 $0x100000, s0;
	[bflag:$0x2] =	sbarrier.arrive $0xFFFF  }
0x120: {  	[sflag:s0] =	ssyncadd.tile.s32 $0x1;
	_ =	shalt  }
.Lfunc_end2:
_tile_overlayer_lowered:
.L_overlay_start_2:
0x121: {  	(tag) =	ssettag $0x2  }
0x122: {  	s0 =	rddreg [dreg:$0x0];
	s2 =	stileid.u32  }
0x123: {  	s1 =	rddreg [dreg:$0x1];
	p0 =	sne.s32 s2, $0x0  }
0x124: {  	s3 =	rddreg [dreg:$0x2];
	[bflag:$0x3] =	sbarrier.arrive $0xFFFF;
	s2 =	simm.s32 @!p0 $0x1C03  }
0x125: {  	[timem:s3], [sflag:s2] =	dma.local @!p0 [hbm:s0], s1  }
0x126: {  	s0 =	simm.s32 @!p0 $0x3  }
0x127: {  	_ =	swait.ge @!p0 [sflag:s0], s1  }
0x128: {  	s1 =	ssub.s32 @!p0 $0x0, s1;
	[sflag:s0] =	ssyncset.done @!p0 $0x0  }
0x129: {  	[sflag:s0] =	ssyncadd.s32 @!p0 s1  }
0x12a: {  	[bflag:$0x3] =	sbarrier.arrive $0xFFFF  }
0x12b: {  	_ =	shalt  }

</sc_bundles>
